<compile_context>
chip_gen: v7x
topology: tpu7x:2x2x1
jax: 0.10.2.dev20260603
libtpu: 0.0.44.dev20260713+nightly
codegen_flags: <defaults>
</compile_context>

<pallas_src>
import jax
import jax.numpy as jnp
from jax import lax
from jax.experimental import pallas as pl
from jax.experimental.pallas import tpu as pltpu
from jax.experimental.pallas import tpu_sc as plsc

N = 10000
E = 320000
D = 128
NCLS = 64

NC = 2
NS = 16
CH = 80
EDGES_PER_TILE = E // (NC * NS)
NCHUNK = EDGES_PER_TILE // CH
RCH = 80
NRCHUNK = N // RCH
DEGW = 16


def _fill_rows(ref, nrows, ncols, value):
    vec = jnp.full((16,), value, jnp.float32)

    def body(i, carry):
        for j in range(ncols // 16):
            ref[i, pl.ds(j * 16, 16)] = vec
        return carry

    lax.fori_loop(0, nrows, body, 0)


def _sc_segment_sum(h, edge_index, with_deg):
    mesh = plsc.VectorSubcoreMesh(
        core_axis_name="c", subcore_axis_name="s", num_cores=NC, num_subcores=NS
    )
    out_type = [jax.ShapeDtypeStruct((NC, N, D), jnp.float32)]
    scratch = [
        pltpu.VMEM_SHARED((N, D), jnp.float32),
        pltpu.VMEM((2, CH), jnp.int32),
        pltpu.VMEM((2, CH), jnp.int32),
        pltpu.VMEM((2, CH, D), jnp.float32),
        pltpu.VMEM((RCH, D), jnp.float32),
        pltpu.SemaphoreType.DMA,
        pltpu.SemaphoreType.DMA,
    ]
    if with_deg:
        out_type.append(jax.ShapeDtypeStruct((NC, N, DEGW), jnp.float32))
        scratch += [
            pltpu.VMEM_SHARED((N, DEGW), jnp.float32),
            pltpu.VMEM((CH, DEGW), jnp.float32),
            pltpu.VMEM((RCH, DEGW), jnp.float32),
        ]

    def body(h_hbm, src_hbm, dst_hbm, *refs):
        if with_deg:
            (acc_out, deg_out, acc, src_i, dst_i, rows2, zrows_v, gsem, isem,
             deg, ones_v, dzero_v) = refs
        else:
            (acc_out, acc, src_i, dst_i, rows2, zrows_v, gsem, isem) = refs
        c = lax.axis_index("c")
        s = lax.axis_index("s")

        _fill_rows(zrows_v, RCH, D, 0.0)
        if with_deg:
            _fill_rows(dzero_v, RCH, DEGW, 0.0)
            _fill_rows(ones_v, CH, DEGW, 1.0)

        def zero_chunk(i, carry):
            m = s + i * NS

            @pl.when(m < NRCHUNK)
            def _():
                pltpu.sync_copy(zrows_v, acc.at[pl.ds(m * RCH, RCH)])
                if with_deg:
                    pltpu.sync_copy(dzero_v, deg.at[pl.ds(m * RCH, RCH)])
            return carry

        lax.fori_loop(0, (NRCHUNK + NS - 1) // NS, zero_chunk, 0)
        plsc.subcore_barrier()

        tile_base = c * (E // NC) + s * EDGES_PER_TILE

        def _idx_wait(slot):
            pltpu.make_async_copy(src_hbm.at[pl.ds(0, CH)],
                                  src_i.at[slot], isem).wait()
            pltpu.make_async_copy(dst_hbm.at[pl.ds(0, CH)],
                                  dst_i.at[slot], isem).wait()

        pltpu.sync_copy(src_hbm.at[pl.ds(tile_base, CH)], src_i.at[0])
        pltpu.sync_copy(dst_hbm.at[pl.ds(tile_base, CH)], dst_i.at[0])
        pltpu.async_copy(h_hbm.at[src_i.at[0]], rows2.at[0], gsem)
        pltpu.async_copy(src_hbm.at[pl.ds(tile_base + CH, CH)],
                         src_i.at[1], isem)
        pltpu.async_copy(dst_hbm.at[pl.ds(tile_base + CH, CH)],
                         dst_i.at[1], isem)

        def it(k, carry):
            cur = lax.rem(k, 2)
            nxt = 1 - cur

            @pl.when(k < NCHUNK - 1)
            def _():
                _idx_wait(nxt)

            pltpu.make_async_copy(h_hbm.at[src_i.at[cur]],
                                  rows2.at[cur], gsem).wait()

            @pl.when(k < NCHUNK - 1)
            def _():
                pltpu.async_copy(h_hbm.at[src_i.at[nxt]], rows2.at[nxt], gsem)

            pltpu.sync_copy(rows2.at[cur], acc.at[dst_i.at[cur]], add=True)
            if with_deg:
                pltpu.sync_copy(ones_v, deg.at[dst_i.at[cur]], add=True)

            @pl.when(k < NCHUNK - 2)
            def _():
                base = tile_base + (k + 2) * CH
                pltpu.async_copy(src_hbm.at[pl.ds(base, CH)],
                                 src_i.at[cur], isem)
                pltpu.async_copy(dst_hbm.at[pl.ds(base, CH)],
                                 dst_i.at[cur], isem)
            return carry

        lax.fori_loop(0, NCHUNK, it, 0)
        plsc.subcore_barrier()

        def out_chunk(i, carry):
            m = s + i * NS

            @pl.when(m < NRCHUNK)
            def _():
                pltpu.sync_copy(acc.at[pl.ds(m * RCH, RCH)],
                                acc_out.at[c, pl.ds(m * RCH, RCH)])
                if with_deg:
                    pltpu.sync_copy(deg.at[pl.ds(m * RCH, RCH)],
                                    deg_out.at[c, pl.ds(m * RCH, RCH)])
            return carry

        lax.fori_loop(0, (NRCHUNK + NS - 1) // NS, out_chunk, 0)

    f = pl.kernel(body, out_type=out_type, mesh=mesh,
                  name="sc_segment_sum" + ("_deg" if with_deg else ""),
                  compiler_params=pltpu.CompilerParams(use_tc_tiling_on_sc=False),
                  scratch_types=scratch)
    return f(h, edge_index[0], edge_index[1])


_TC_R = 1000


def _tc1_body(x_ref, acc_ref, deg_ref, ws_ref, wn_ref, b_ref, out_ref):
    x = x_ref[...]
    agg = acc_ref[0] + acc_ref[1] + x
    deg = (jnp.sum(deg_ref[0], axis=1, keepdims=True)
           + jnp.sum(deg_ref[1], axis=1, keepdims=True)) * (1.0 / DEGW) + 1.0
    mean = agg / deg
    h = (jnp.dot(x, ws_ref[...], preferred_element_type=jnp.float32)
         + jnp.dot(mean, wn_ref[...], preferred_element_type=jnp.float32)
         + b_ref[...])
    out_ref[...] = jnp.where(h >= 0.0, h, 0.01 * h)


def _tc2_body(h_ref, acc_ref, deg_ref, ws_ref, wn_ref, b_ref, wsc_ref,
              bsc_ref, out_ref):
    h = h_ref[...]
    agg = acc_ref[0] + acc_ref[1] + h
    deg = (jnp.sum(deg_ref[0], axis=1, keepdims=True)
           + jnp.sum(deg_ref[1], axis=1, keepdims=True)) * (1.0 / DEGW) + 1.0
    mean = agg / deg
    h2 = (jnp.dot(h, ws_ref[...], preferred_element_type=jnp.float32)
          + jnp.dot(mean, wn_ref[...], preferred_element_type=jnp.float32)
          + b_ref[...])
    out_ref[...] = (jnp.dot(h2, wsc_ref[...], preferred_element_type=jnp.float32)
                    + bsc_ref[...])


def _row_spec(r, d):
    return pl.BlockSpec((r, d), lambda i: (i, 0))


def _stack_spec(r, d):
    return pl.BlockSpec((NC, r, d), lambda i: (0, i, 0))


def _full_spec(a, b):
    return pl.BlockSpec((a, b), lambda i: (0, 0))


def _tc_layer1(x, acc, deg, ws, wn, b):
    return pl.pallas_call(
        _tc1_body,
        grid=(N // _TC_R,),
        in_specs=[
            _row_spec(_TC_R, D), _stack_spec(_TC_R, D), _stack_spec(_TC_R, DEGW),
            _full_spec(D, D), _full_spec(D, D), _full_spec(1, D),
        ],
        out_specs=_row_spec(_TC_R, D),
        out_shape=jax.ShapeDtypeStruct((N, D), jnp.float32),
    )(x, acc, deg, ws, wn, b.reshape(1, D))


def _tc_layer2(h, acc, deg, ws, wn, b, wsc, bsc):
    return pl.pallas_call(
        _tc2_body,
        grid=(N // _TC_R,),
        in_specs=[
            _row_spec(_TC_R, D), _stack_spec(_TC_R, D), _stack_spec(_TC_R, DEGW),
            _full_spec(D, D), _full_spec(D, D), _full_spec(1, D),
            _full_spec(D, NCLS), _full_spec(1, NCLS),
        ],
        out_specs=_row_spec(_TC_R, NCLS),
        out_shape=jax.ShapeDtypeStruct((N, NCLS), jnp.float32),
    )(h, acc, deg, ws, wn, b.reshape(1, D), wsc, bsc.reshape(1, NCLS))


def kernel(x, edge_index, W_self1, W_neigh1, b1, W_self2, W_neigh2, b2,
           W_score, b_score):
    acc1, deg = _sc_segment_sum(x, edge_index, with_deg=True)
    h1 = _tc_layer1(x, acc1, deg, W_self1, W_neigh1, b1)
    (acc2,) = _sc_segment_sum(h1, edge_index, with_deg=False)
    return _tc_layer2(h1, acc2, deg, W_self2, W_neigh2, b2, W_score, b_score)

# --- scband reference (transcript-rebuilt; emitter-appended) ---
"""Pipeline reference for scband-seg-sage-52974126629691 (READ-ONLY COPY).

The authoritative reference and input builder live on the scoring server;
editing this copy changes nothing except your own understanding.
"""

import jax, jax.numpy as jnp
import numpy as np

N = 10000
E = 320000
D_IN = 128
D_HID = 128
N_CLASS = 64


def setup_inputs(seed: int = 0) -> dict:
    key = jax.random.key(seed)
    ks = jax.random.split(key, 8)
    s = 0.05
    x = jax.random.normal(ks[0], (N, D_IN), dtype=jnp.float32)
    edge_index = jax.random.randint(ks[1], (2, E), 0, N, dtype=jnp.int32)
    W_self1 = jax.random.normal(ks[2], (D_IN, D_HID), dtype=jnp.float32) * s
    W_neigh1 = jax.random.normal(ks[3], (D_IN, D_HID), dtype=jnp.float32) * s
    b1 = jnp.zeros((D_HID,), dtype=jnp.float32)
    W_self2 = jax.random.normal(ks[4], (D_HID, D_HID), dtype=jnp.float32) * s
    W_neigh2 = jax.random.normal(ks[5], (D_HID, D_HID), dtype=jnp.float32) * s
    b2 = jnp.zeros((D_HID,), dtype=jnp.float32)
    W_score = jax.random.normal(ks[6], (D_HID, N_CLASS), dtype=jnp.float32) * s
    b_score = jnp.zeros((N_CLASS,), dtype=jnp.float32)
    return {
        "x": x,
        "edge_index": edge_index,
        "W_self1": W_self1,
        "W_neigh1": W_neigh1,
        "b1": b1,
        "W_self2": W_self2,
        "W_neigh2": W_neigh2,
        "b2": b2,
        "W_score": W_score,
        "b_score": b_score,
    }


def _sage_mean(h, src, dst, W_self, W_neigh, b):
    # DGL SAGEConv with aggregator_type='mean':
    #   out = fc_self(h_dst) + fc_neigh(mean_{u in N(v)} h_u) + bias
    msgs = h[src]
    agg = jax.ops.segment_sum(msgs, dst, num_segments=N)
    deg = jax.ops.segment_sum(jnp.ones((src.shape[0],), jnp.float32), dst, num_segments=N)
    mean_neigh = agg / jnp.maximum(deg, 1.0)[:, None]
    return h @ W_self + mean_neigh @ W_neigh + b


def reference(x, edge_index, W_self1, W_neigh1, b1, W_self2, W_neigh2, b2, W_score, b_score):
    # dgl.add_self_loop: append (i, i) for every node
    loops = jnp.arange(N, dtype=edge_index.dtype)
    src = jnp.concatenate([edge_index[0], loops])
    dst = jnp.concatenate([edge_index[1], loops])
    h = _sage_mean(x, src, dst, W_self1, W_neigh1, b1)
    h = jax.nn.leaky_relu(h, negative_slope=0.01)
    h = _sage_mean(h, src, dst, W_self2, W_neigh2, b2)
    score = h @ W_score + b_score
    return score

if __name__ == "__main__":
    import jax
    _d = setup_inputs()
    print(jax.jit(kernel)(*tuple(_d.values())))

</pallas_src>

<mosaic_0001>
#map = affine_map<(d0, d1) -> (0, 0)>
#map1 = affine_map<(d0, d1) -> (0)>
#map2 = affine_map<(d0, d1) -> (0, 0, 0)>
module attributes {stable_mosaic.version = 14 : i64} {
  func.func @sc_segment_sum(%arg0: i32, %arg1: i32, %arg2: memref<10000x128xf32, #tpu.memory_space<hbm>>, %arg3: memref<320000xi32, #tpu.memory_space<hbm>>, %arg4: memref<320000xi32, #tpu.memory_space<hbm>>, %arg5: memref<2x10000x128xf32, #tpu.memory_space<hbm>>, %arg6: memref<10000x128xf32, #tpu.memory_space<vmem_shared>>, %arg7: memref<2x80xi32, #tpu.memory_space<vmem>>, %arg8: memref<2x80xi32, #tpu.memory_space<vmem>>, %arg9: memref<2x80x128xf32, #tpu.memory_space<vmem>>, %arg10: memref<80x128xf32, #tpu.memory_space<vmem>>, %arg11: memref<!tpu.dma_semaphore, #tpu.memory_space<semaphore_mem>>, %arg12: memref<!tpu.dma_semaphore, #tpu.memory_space<semaphore_mem>>) attributes {dimension_semantics = [#tpu.dimension_semantics<core_parallel>, #tpu.dimension_semantics<subcore_parallel>], iteration_bounds = array<i64: 2, 16>, scalar_prefetch = 0 : i64, scratch_operands = 7 : i64, tpu.core_type = #tpu.core_type<sc_vector_subcore>, window_params = [{transform_indices = #map}, {transform_indices = #map1}, {transform_indices = #map1}, {transform_indices = #map2}]} {
    %broadcast_in_dim3A = arith.constant 0.000000e+00 : f32
    %broadcast_in_dim3A_0 = vector.broadcast %broadcast_in_dim3A : f32 to vector<16xf32>
    %scan3A = arith.constant 0 : i32
    %scan3A_1 = arith.constant 0 : i32
    %scan3A_2 = arith.constant 80 : i32
    %scan3A_3 = arith.addi %scan3A_1, %scan3A_2 : i32
    %scan3A_4 = arith.constant 1 : i32
    scf.for %scan3A_62 = %scan3A_1 to %scan3A_3 step %scan3A_4  : i32 {
      %swap3A = arith.index_cast %scan3A_62 : i32 to index
      %swap3A_63 = arith.constant 0 : index
      %swap3A_64 = tpu.vector_load %arg10[%swap3A, %swap3A_63] {strides = array<i32>} : memref<80x128xf32, #tpu.memory_space<vmem>>, vector<1x16xf32>,
      %swap3A_65 = vector.shape_cast %swap3A_64 : vector<1x16xf32> to vector<16xf32>
      %swap3A_66 = vector.shape_cast %broadcast_in_dim3A_0 : vector<16xf32> to vector<1x16xf32>
      tpu.vector_store %arg10[%swap3A, %swap3A_63], %swap3A_66 {strides = array<i32>} : memref<80x128xf32, #tpu.memory_space<vmem>>, vector<1x16xf32>,
      %swap3A_67 = arith.index_cast %scan3A_62 : i32 to index
      %swap3A_68 = arith.constant 16 : index
      %swap3A_69 = tpu.vector_load %arg10[%swap3A_67, %swap3A_68] {strides = array<i32>} : memref<80x128xf32, #tpu.memory_space<vmem>>, vector<1x16xf32>,
      %swap3A_70 = vector.shape_cast %swap3A_69 : vector<1x16xf32> to vector<16xf32>
      %swap3A_71 = vector.shape_cast %broadcast_in_dim3A_0 : vector<16xf32> to vector<1x16xf32>
      tpu.vector_store %arg10[%swap3A_67, %swap3A_68], %swap3A_71 {strides = array<i32>} : memref<80x128xf32, #tpu.memory_space<vmem>>, vector<1x16xf32>,
      %swap3A_72 = arith.index_cast %scan3A_62 : i32 to index
      %swap3A_73 = arith.constant 32 : index
      %swap3A_74 = tpu.vector_load %arg10[%swap3A_72, %swap3A_73] {strides = array<i32>} : memref<80x128xf32, #tpu.memory_space<vmem>>, vector<1x16xf32>,
      %swap3A_75 = vector.shape_cast %swap3A_74 : vector<1x16xf32> to vector<16xf32>
      %swap3A_76 = vector.shape_cast %broadcast_in_dim3A_0 : vector<16xf32> to vector<1x16xf32>
      tpu.vector_store %arg10[%swap3A_72, %swap3A_73], %swap3A_76 {strides = array<i32>} : memref<80x128xf32, #tpu.memory_space<vmem>>, vector<1x16xf32>,
      %swap3A_77 = arith.index_cast %scan3A_62 : i32 to index
      %swap3A_78 = arith.constant 48 : index
      %swap3A_79 = tpu.vector_load %arg10[%swap3A_77, %swap3A_78] {strides = array<i32>} : memref<80x128xf32, #tpu.memory_space<vmem>>, vector<1x16xf32>,
      %swap3A_80 = vector.shape_cast %swap3A_79 : vector<1x16xf32> to vector<16xf32>
      %swap3A_81 = vector.shape_cast %broadcast_in_dim3A_0 : vector<16xf32> to vector<1x16xf32>
      tpu.vector_store %arg10[%swap3A_77, %swap3A_78], %swap3A_81 {strides = array<i32>} : memref<80x128xf32, #tpu.memory_space<vmem>>, vector<1x16xf32>,
      %swap3A_82 = arith.index_cast %scan3A_62 : i32 to index
      %swap3A_83 = arith.constant 64 : index
      %swap3A_84 = tpu.vector_load %arg10[%swap3A_82, %swap3A_83] {strides = array<i32>} : memref<80x128xf32, #tpu.memory_space<vmem>>, vector<1x16xf32>,
      %swap3A_85 = vector.shape_cast %swap3A_84 : vector<1x16xf32> to vector<16xf32>
      %swap3A_86 = vector.shape_cast %broadcast_in_dim3A_0 : vector<16xf32> to vector<1x16xf32>
      tpu.vector_store %arg10[%swap3A_82, %swap3A_83], %swap3A_86 {strides = array<i32>} : memref<80x128xf32, #tpu.memory_space<vmem>>, vector<1x16xf32>,
      %swap3A_87 = arith.index_cast %scan3A_62 : i32 to index
      %swap3A_88 = arith.constant 80 : index
      %swap3A_89 = tpu.vector_load %arg10[%swap3A_87, %swap3A_88] {strides = array<i32>} : memref<80x128xf32, #tpu.memory_space<vmem>>, vector<1x16xf32>,
      %swap3A_90 = vector.shape_cast %swap3A_89 : vector<1x16xf32> to vector<16xf32>
      %swap3A_91 = vector.shape_cast %broadcast_in_dim3A_0 : vector<16xf32> to vector<1x16xf32>
      tpu.vector_store %arg10[%swap3A_87, %swap3A_88], %swap3A_91 {strides = array<i32>} : memref<80x128xf32, #tpu.memory_space<vmem>>, vector<1x16xf32>,
      %swap3A_92 = arith.index_cast %scan3A_62 : i32 to index
      %swap3A_93 = arith.constant 96 : index
      %swap3A_94 = tpu.vector_load %arg10[%swap3A_92, %swap3A_93] {strides = array<i32>} : memref<80x128xf32, #tpu.memory_space<vmem>>, vector<1x16xf32>,
      %swap3A_95 = vector.shape_cast %swap3A_94 : vector<1x16xf32> to vector<16xf32>
      %swap3A_96 = vector.shape_cast %broadcast_in_dim3A_0 : vector<16xf32> to vector<1x16xf32>
      tpu.vector_store %arg10[%swap3A_92, %swap3A_93], %swap3A_96 {strides = array<i32>} : memref<80x128xf32, #tpu.memory_space<vmem>>, vector<1x16xf32>,
      %swap3A_97 = arith.index_cast %scan3A_62 : i32 to index
      %swap3A_98 = arith.constant 112 : index
      %swap3A_99 = tpu.vector_load %arg10[%swap3A_97, %swap3A_98] {strides = array<i32>} : memref<80x128xf32, #tpu.memory_space<vmem>>, vector<1x16xf32>,
      %swap3A_100 = vector.shape_cast %swap3A_99 : vector<1x16xf32> to vector<16xf32>
      %swap3A_101 = vector.shape_cast %broadcast_in_dim3A_0 : vector<16xf32> to vector<1x16xf32>
      tpu.vector_store %arg10[%swap3A_97, %swap3A_98], %swap3A_101 {strides = array<i32>} : memref<80x128xf32, #tpu.memory_space<vmem>>, vector<1x16xf32>,
    }
    %scan3A_5 = arith.constant 80 : i32
    %scan3A_6 = arith.constant 0 : i32
    %scan3A_7 = arith.constant 0 : i32
    %scan3A_8 = arith.constant 8 : i32
    %scan3A_9 = arith.addi %scan3A_7, %scan3A_8 : i32
    %scan3A_10 = arith.constant 1 : i32
    scf.for %scan3A_62 = %scan3A_7 to %scan3A_9 step %scan3A_10  : i32 {
      %mul3A_63 = arith.constant 16 : i32
      %mul3A_64 = arith.muli %scan3A_62, %mul3A_63 : i32
      %add3A_65 = arith.addi %arg1, %mul3A_64 : i32
      %lt3A = arith.constant 125 : i32
      %lt3A_66 = arith.cmpi slt, %add3A_65, %lt3A : i32
      %convert_element_type3A = arith.extui %lt3A_66 : i1 to i32
      %cond3A = arith.constant 0 : i32
      %cond3A_67 = arith.cmpi ne, %convert_element_type3A, %cond3A : i32
      scf.if %cond3A_67 {
        %mul3A_68 = arith.constant 80 : i32
        %mul3A_69 = arith.muli %add3A_65, %mul3A_68 : i32
        "tpu.region"() ({
          %run_scoped3A_70 = tpu.sem_alloc : memref<!tpu.dma_semaphore, #tpu.memory_space<semaphore_mem>>
          %dma_start3A_71 = arith.constant 0 : i32
          %dma_start3A_72 = tpu.memref_slice %arg6[%mul3A_69, %dma_start3A_71] : memref<10000x128xf32, #tpu.memory_space<vmem_shared>> -> memref<80x128xf32, #tpu.memory_space<vmem_shared>>
          %dma_start3A_73 = arith.constant 0 : i32
          %dma_start3A_74 = tpu.memref_slice %arg6[%mul3A_69, %dma_start3A_73] : memref<10000x128xf32, #tpu.memory_space<vmem_shared>> -> memref<80x128xf32, #tpu.memory_space<vmem_shared>>
          tpu.enqueue_dma source(%arg10 : memref<80x128xf32, #tpu.memory_space<vmem>>) target(%dma_start3A_74 : memref<80x128xf32, #tpu.memory_space<vmem_shared>>) target_semaphore(%run_scoped3A_70 : memref<!tpu.dma_semaphore, #tpu.memory_space<semaphore_mem>>)
          %dma_wait3A = arith.constant 0 : i32
          %dma_wait3A_75 = tpu.memref_slice %arg6[%mul3A_69, %dma_wait3A] : memref<10000x128xf32, #tpu.memory_space<vmem_shared>> -> memref<80x128xf32, #tpu.memory_space<vmem_shared>>
          %dma_wait3A_76 = arith.constant 0 : i32
          %dma_wait3A_77 = tpu.memref_slice %arg6[%mul3A_69, %dma_wait3A_76] : memref<10000x128xf32, #tpu.memory_space<vmem_shared>> -> memref<80x128xf32, #tpu.memory_space<vmem_shared>>
          tpu.wait_dma2 semaphore(%run_scoped3A_70 : memref<!tpu.dma_semaphore, #tpu.memory_space<semaphore_mem>>) src(%arg10 : memref<80x128xf32, #tpu.memory_space<vmem>>) dst(%dma_wait3A_77 : memref<80x128xf32, #tpu.memory_space<vmem_shared>>)
          tpu.yield
        }) : () -> ()
      } else {
      }
    }
    %scan3A_11 = arith.constant 8 : i32
    %barrier3A = arith.constant 0 : index
    tpu.barrier barrier_id(%barrier3A)
    %mul3A = arith.constant 160000 : i32
    %mul3A_12 = arith.muli %arg0, %mul3A : i32
    %mul3A_13 = arith.constant 10000 : i32
    %mul3A_14 = arith.muli %arg1, %mul3A_13 : i32
    %add3A = arith.addi %mul3A_12, %mul3A_14 : i32
    %run_scoped3A = arith.constant 0 : i32
    "tpu.region"() ({
      %run_scoped3A_62 = tpu.sem_alloc : memref<!tpu.dma_semaphore, #tpu.memory_space<semaphore_mem>>
      %dma_start3A_63 = arith.constant 0 : i32
      %dma_start3A_64 = tpu.memref_slice %arg7[%run_scoped3A, %dma_start3A_63] : memref<2x80xi32, #tpu.memory_space<vmem>> -> memref<1x80xi32, #tpu.memory_space<vmem>>
      %dma_start3A_65 = tpu.memref_squeeze %dma_start3A_64 : memref<1x80xi32, #tpu.memory_space<vmem>> -> memref<80xi32, #tpu.memory_space<vmem>>
      %dma_start3A_66 = tpu.memref_slice %arg3[%add3A] : memref<320000xi32, #tpu.memory_space<hbm>> -> memref<80xi32, #tpu.memory_space<hbm>>
      %dma_start3A_67 = arith.constant 0 : i32
      %dma_start3A_68 = tpu.memref_slice %arg7[%run_scoped3A, %dma_start3A_67] : memref<2x80xi32, #tpu.memory_space<vmem>> -> memref<1x80xi32, #tpu.memory_space<vmem>>
      %dma_start3A_69 = tpu.memref_squeeze %dma_start3A_68 : memref<1x80xi32, #tpu.memory_space<vmem>> -> memref<80xi32, #tpu.memory_space<vmem>>
      %dma_start3A_70 = tpu.memref_slice %arg3[%add3A] : memref<320000xi32, #tpu.memory_space<hbm>> -> memref<80xi32, #tpu.memory_space<hbm>>
      tpu.enqueue_dma source(%dma_start3A_70 : memref<80xi32, #tpu.memory_space<hbm>>) target(%dma_start3A_69 : memref<80xi32, #tpu.memory_space<vmem>>) target_semaphore(%run_scoped3A_62 : memref<!tpu.dma_semaphore, #tpu.memory_space<semaphore_mem>>)
      %dma_wait3A = arith.constant 0 : i32
      %dma_wait3A_71 = tpu.memref_slice %arg7[%run_scoped3A, %dma_wait3A] : memref<2x80xi32, #tpu.memory_space<vmem>> -> memref<1x80xi32, #tpu.memory_space<vmem>>
      %dma_wait3A_72 = tpu.memref_squeeze %dma_wait3A_71 : memref<1x80xi32, #tpu.memory_space<vmem>> -> memref<80xi32, #tpu.memory_space<vmem>>
      %dma_wait3A_73 = tpu.memref_slice %arg3[%add3A] : memref<320000xi32, #tpu.memory_space<hbm>> -> memref<80xi32, #tpu.memory_space<hbm>>
      %dma_wait3A_74 = arith.constant 0 : i32
      %dma_wait3A_75 = tpu.memref_slice %arg7[%run_scoped3A, %dma_wait3A_74] : memref<2x80xi32, #tpu.memory_space<vmem>> -> memref<1x80xi32, #tpu.memory_space<vmem>>
      %dma_wait3A_76 = tpu.memref_squeeze %dma_wait3A_75 : memref<1x80xi32, #tpu.memory_space<vmem>> -> memref<80xi32, #tpu.memory_space<vmem>>
      %dma_wait3A_77 = tpu.memref_slice %arg3[%add3A] : memref<320000xi32, #tpu.memory_space<hbm>> -> memref<80xi32, #tpu.memory_space<hbm>>
      tpu.wait_dma2 semaphore(%run_scoped3A_62 : memref<!tpu.dma_semaphore, #tpu.memory_space<semaphore_mem>>) src(%dma_wait3A_77 : memref<80xi32, #tpu.memory_space<hbm>>) dst(%dma_wait3A_76 : memref<80xi32, #tpu.memory_space<vmem>>)
      tpu.yield
    }) : () -> ()
    %run_scoped3A_15 = arith.constant 0 : i32
    "tpu.region"() ({
      %run_scoped3A_62 = tpu.sem_alloc : memref<!tpu.dma_semaphore, #tpu.memory_space<semaphore_mem>>
      %dma_start3A_63 = arith.constant 0 : i32
      %dma_start3A_64 = tpu.memref_slice %arg8[%run_scoped3A_15, %dma_start3A_63] : memref<2x80xi32, #tpu.memory_space<vmem>> -> memref<1x80xi32, #tpu.memory_space<vmem>>
      %dma_start3A_65 = tpu.memref_squeeze %dma_start3A_64 : memref<1x80xi32, #tpu.memory_space<vmem>> -> memref<80xi32, #tpu.memory_space<vmem>>
      %dma_start3A_66 = tpu.memref_slice %arg4[%add3A] : memref<320000xi32, #tpu.memory_space<hbm>> -> memref<80xi32, #tpu.memory_space<hbm>>
      %dma_start3A_67 = arith.constant 0 : i32
      %dma_start3A_68 = tpu.memref_slice %arg8[%run_scoped3A_15, %dma_start3A_67] : memref<2x80xi32, #tpu.memory_space<vmem>> -> memref<1x80xi32, #tpu.memory_space<vmem>>
      %dma_start3A_69 = tpu.memref_squeeze %dma_start3A_68 : memref<1x80xi32, #tpu.memory_space<vmem>> -> memref<80xi32, #tpu.memory_space<vmem>>
      %dma_start3A_70 = tpu.memref_slice %arg4[%add3A] : memref<320000xi32, #tpu.memory_space<hbm>> -> memref<80xi32, #tpu.memory_space<hbm>>
      tpu.enqueue_dma source(%dma_start3A_70 : memref<80xi32, #tpu.memory_space<hbm>>) target(%dma_start3A_69 : memref<80xi32, #tpu.memory_space<vmem>>) target_semaphore(%run_scoped3A_62 : memref<!tpu.dma_semaphore, #tpu.memory_space<semaphore_mem>>)
      %dma_wait3A = arith.constant 0 : i32
      %dma_wait3A_71 = tpu.memref_slice %arg8[%run_scoped3A_15, %dma_wait3A] : memref<2x80xi32, #tpu.memory_space<vmem>> -> memref<1x80xi32, #tpu.memory_space<vmem>>
      %dma_wait3A_72 = tpu.memref_squeeze %dma_wait3A_71 : memref<1x80xi32, #tpu.memory_space<vmem>> -> memref<80xi32, #tpu.memory_space<vmem>>
      %dma_wait3A_73 = tpu.memref_slice %arg4[%add3A] : memref<320000xi32, #tpu.memory_space<hbm>> -> memref<80xi32, #tpu.memory_space<hbm>>
      %dma_wait3A_74 = arith.constant 0 : i32
      %dma_wait3A_75 = tpu.memref_slice %arg8[%run_scoped3A_15, %dma_wait3A_74] : memref<2x80xi32, #tpu.memory_space<vmem>> -> memref<1x80xi32, #tpu.memory_space<vmem>>
      %dma_wait3A_76 = tpu.memref_squeeze %dma_wait3A_75 : memref<1x80xi32, #tpu.memory_space<vmem>> -> memref<80xi32, #tpu.memory_space<vmem>>
      %dma_wait3A_77 = tpu.memref_slice %arg4[%add3A] : memref<320000xi32, #tpu.memory_space<hbm>> -> memref<80xi32, #tpu.memory_space<hbm>>
      tpu.wait_dma2 semaphore(%run_scoped3A_62 : memref<!tpu.dma_semaphore, #tpu.memory_space<semaphore_mem>>) src(%dma_wait3A_77 : memref<80xi32, #tpu.memory_space<hbm>>) dst(%dma_wait3A_76 : memref<80xi32, #tpu.memory_space<vmem>>)
      tpu.yield
    }) : () -> ()
    %dma_start3A = arith.constant 0 : i32
    %dma_start3A_16 = arith.constant 0 : i32
    %dma_start3A_17 = arith.constant 0 : i32
    %dma_start3A_18 = arith.constant 0 : i32
    %dma_start3A_19 = tpu.memref_slice %arg9[%dma_start3A_16, %dma_start3A_17, %dma_start3A_18] : memref<2x80x128xf32, #tpu.memory_space<vmem>> -> memref<1x80x128xf32, #tpu.memory_space<vmem>>
    %dma_start3A_20 = tpu.memref_squeeze %dma_start3A_19 : memref<1x80x128xf32, #tpu.memory_space<vmem>> -> memref<80x128xf32, #tpu.memory_space<vmem>>
    %dma_start3A_21 = arith.constant 0 : i32
    %dma_start3A_22 = tpu.memref_slice %arg7[%dma_start3A, %dma_start3A_21] : memref<2x80xi32, #tpu.memory_space<vmem>> -> memref<1x80xi32, #tpu.memory_space<vmem>>
    %dma_start3A_23 = tpu.memref_squeeze %dma_start3A_22 : memref<1x80xi32, #tpu.memory_space<vmem>> -> memref<80xi32, #tpu.memory_space<vmem>>
    %dma_start3A_24 = arith.constant 0 : i32
    %dma_start3A_25 = arith.constant 0 : i32
    %dma_start3A_26 = tpu.memref_slice %arg2[%dma_start3A_24, %dma_start3A_25] : memref<10000x128xf32, #tpu.memory_space<hbm>> -> memref<10000x128xf32, #tpu.memory_space<hbm>>
    tpu.enqueue_indirect_dma source(%dma_start3A_26 : memref<10000x128xf32, #tpu.memory_space<hbm>>) target(%dma_start3A_20 : memref<80x128xf32, #tpu.memory_space<vmem>>) offsets(%dma_start3A_23 : memref<80xi32, #tpu.memory_space<vmem>>) semaphore(%arg11 : memref<!tpu.dma_semaphore, #tpu.memory_space<semaphore_mem>>)
    %add3A_27 = arith.constant 80 : i32
    %add3A_28 = arith.addi %add3A, %add3A_27 : i32
    %dma_start3A_29 = arith.constant 1 : i32
    %dma_start3A_30 = arith.constant 0 : i32
    %dma_start3A_31 = tpu.memref_slice %arg7[%dma_start3A_29, %dma_start3A_30] : memref<2x80xi32, #tpu.memory_space<vmem>> -> memref<1x80xi32, #tpu.memory_space<vmem>>
    %dma_start3A_32 = tpu.memref_squeeze %dma_start3A_31 : memref<1x80xi32, #tpu.memory_space<vmem>> -> memref<80xi32, #tpu.memory_space<vmem>>
    %dma_start3A_33 = tpu.memref_slice %arg3[%add3A_28] : memref<320000xi32, #tpu.memory_space<hbm>> -> memref<80xi32, #tpu.memory_space<hbm>>
    %dma_start3A_34 = arith.constant 0 : i32
    %dma_start3A_35 = tpu.memref_slice %arg7[%dma_start3A_29, %dma_start3A_34] : memref<2x80xi32, #tpu.memory_space<vmem>> -> memref<1x80xi32, #tpu.memory_space<vmem>>
    %dma_start3A_36 = tpu.memref_squeeze %dma_start3A_35 : memref<1x80xi32, #tpu.memory_space<vmem>> -> memref<80xi32, #tpu.memory_space<vmem>>
    %dma_start3A_37 = tpu.memref_slice %arg3[%add3A_28] : memref<320000xi32, #tpu.memory_space<hbm>> -> memref<80xi32, #tpu.memory_space<hbm>>
    tpu.enqueue_dma source(%dma_start3A_37 : memref<80xi32, #tpu.memory_space<hbm>>) target(%dma_start3A_36 : memref<80xi32, #tpu.memory_space<vmem>>) target_semaphore(%arg12 : memref<!tpu.dma_semaphore, #tpu.memory_space<semaphore_mem>>)
    %add3A_38 = arith.constant 80 : i32
    %add3A_39 = arith.addi %add3A, %add3A_38 : i32
    %dma_start3A_40 = arith.constant 1 : i32
    %dma_start3A_41 = arith.constant 0 : i32
    %dma_start3A_42 = tpu.memref_slice %arg8[%dma_start3A_40, %dma_start3A_41] : memref<2x80xi32, #tpu.memory_space<vmem>> -> memref<1x80xi32, #tpu.memory_space<vmem>>
    %dma_start3A_43 = tpu.memref_squeeze %dma_start3A_42 : memref<1x80xi32, #tpu.memory_space<vmem>> -> memref<80xi32, #tpu.memory_space<vmem>>
    %dma_start3A_44 = tpu.memref_slice %arg4[%add3A_39] : memref<320000xi32, #tpu.memory_space<hbm>> -> memref<80xi32, #tpu.memory_space<hbm>>
    %dma_start3A_45 = arith.constant 0 : i32
    %dma_start3A_46 = tpu.memref_slice %arg8[%dma_start3A_40, %dma_start3A_45] : memref<2x80xi32, #tpu.memory_space<vmem>> -> memref<1x80xi32, #tpu.memory_space<vmem>>
    %dma_start3A_47 = tpu.memref_squeeze %dma_start3A_46 : memref<1x80xi32, #tpu.memory_space<vmem>> -> memref<80xi32, #tpu.memory_space<vmem>>
    %dma_start3A_48 = tpu.memref_slice %arg4[%add3A_39] : memref<320000xi32, #tpu.memory_space<hbm>> -> memref<80xi32, #tpu.memory_space<hbm>>
    tpu.enqueue_dma source(%dma_start3A_48 : memref<80xi32, #tpu.memory_space<hbm>>) target(%dma_start3A_47 : memref<80xi32, #tpu.memory_space<vmem>>) target_semaphore(%arg12 : memref<!tpu.dma_semaphore, #tpu.memory_space<semaphore_mem>>)
    %scan3A_49 = arith.constant 0 : i32
    %scan3A_50 = arith.constant 0 : i32
    %scan3A_51 = arith.constant 125 : i32
    %scan3A_52 = arith.addi %scan3A_50, %scan3A_51 : i32
    %scan3A_53 = arith.constant 1 : i32
    scf.for %scan3A_62 = %scan3A_50 to %scan3A_52 step %scan3A_53  : i32 {
      %rem3A = arith.constant 2 : i32
      %rem3A_63 = arith.remsi %scan3A_62, %rem3A : i32
      %sub3A = arith.constant 1 : i32
      %sub3A_64 = arith.subi %sub3A, %rem3A_63 : i32
      %lt3A = arith.constant 124 : i32
      %lt3A_65 = arith.cmpi slt, %scan3A_62, %lt3A : i32
      %convert_element_type3A = arith.extui %lt3A_65 : i1 to i32
      %cond3A = arith.constant 0 : i32
      %cond3A_66 = arith.cmpi ne, %convert_element_type3A, %cond3A : i32
      scf.if %cond3A_66 {
        %dma_wait3A_86 = arith.constant 0 : i32
        %dma_wait3A_87 = tpu.memref_slice %arg7[%sub3A_64, %dma_wait3A_86] : memref<2x80xi32, #tpu.memory_space<vmem>> -> memref<1x80xi32, #tpu.memory_space<vmem>>
        %dma_wait3A_88 = tpu.memref_squeeze %dma_wait3A_87 : memref<1x80xi32, #tpu.memory_space<vmem>> -> memref<80xi32, #tpu.memory_space<vmem>>
        %dma_wait3A_89 = arith.constant 0 : i32
        %dma_wait3A_90 = tpu.memref_slice %arg3[%dma_wait3A_89] : memref<320000xi32, #tpu.memory_space<hbm>> -> memref<80xi32, #tpu.memory_space<hbm>>
        %dma_wait3A_91 = arith.constant 0 : i32
        %dma_wait3A_92 = tpu.memref_slice %arg7[%sub3A_64, %dma_wait3A_91] : memref<2x80xi32, #tpu.memory_space<vmem>> -> memref<1x80xi32, #tpu.memory_space<vmem>>
        %dma_wait3A_93 = tpu.memref_squeeze %dma_wait3A_92 : memref<1x80xi32, #tpu.memory_space<vmem>> -> memref<80xi32, #tpu.memory_space<vmem>>
        %dma_wait3A_94 = arith.constant 0 : i32
        %dma_wait3A_95 = tpu.memref_slice %arg3[%dma_wait3A_94] : memref<320000xi32, #tpu.memory_space<hbm>> -> memref<80xi32, #tpu.memory_space<hbm>>
        tpu.wait_dma2 semaphore(%arg12 : memref<!tpu.dma_semaphore, #tpu.memory_space<semaphore_mem>>) src(%dma_wait3A_95 : memref<80xi32, #tpu.memory_space<hbm>>) dst(%dma_wait3A_93 : memref<80xi32, #tpu.memory_space<vmem>>)
        %dma_wait3A_96 = arith.constant 0 : i32
        %dma_wait3A_97 = tpu.memref_slice %arg8[%sub3A_64, %dma_wait3A_96] : memref<2x80xi32, #tpu.memory_space<vmem>> -> memref<1x80xi32, #tpu.memory_space<vmem>>
        %dma_wait3A_98 = tpu.memref_squeeze %dma_wait3A_97 : memref<1x80xi32, #tpu.memory_space<vmem>> -> memref<80xi32, #tpu.memory_space<vmem>>
        %dma_wait3A_99 = arith.constant 0 : i32
        %dma_wait3A_100 = tpu.memref_slice %arg4[%dma_wait3A_99] : memref<320000xi32, #tpu.memory_space<hbm>> -> memref<80xi32, #tpu.memory_space<hbm>>
        %dma_wait3A_101 = arith.constant 0 : i32
        %dma_wait3A_102 = tpu.memref_slice %arg8[%sub3A_64, %dma_wait3A_101] : memref<2x80xi32, #tpu.memory_space<vmem>> -> memref<1x80xi32, #tpu.memory_space<vmem>>
        %dma_wait3A_103 = tpu.memref_squeeze %dma_wait3A_102 : memref<1x80xi32, #tpu.memory_space<vmem>> -> memref<80xi32, #tpu.memory_space<vmem>>
        %dma_wait3A_104 = arith.constant 0 : i32
        %dma_wait3A_105 = tpu.memref_slice %arg4[%dma_wait3A_104] : memref<320000xi32, #tpu.memory_space<hbm>> -> memref<80xi32, #tpu.memory_space<hbm>>
        tpu.wait_dma2 semaphore(%arg12 : memref<!tpu.dma_semaphore, #tpu.memory_space<semaphore_mem>>) src(%dma_wait3A_105 : memref<80xi32, #tpu.memory_space<hbm>>) dst(%dma_wait3A_103 : memref<80xi32, #tpu.memory_space<vmem>>)
      } else {
      }
      %dma_wait3A = arith.constant 0 : i32
      %dma_wait3A_67 = arith.constant 0 : i32
      %dma_wait3A_68 = tpu.memref_slice %arg9[%rem3A_63, %dma_wait3A, %dma_wait3A_67] : memref<2x80x128xf32, #tpu.memory_space<vmem>> -> memref<1x80x128xf32, #tpu.memory_space<vmem>>
      %dma_wait3A_69 = tpu.memref_squeeze %dma_wait3A_68 : memref<1x80x128xf32, #tpu.memory_space<vmem>> -> memref<80x128xf32, #tpu.memory_space<vmem>>
      %dma_wait3A_70 = arith.constant 0 : i32
      %dma_wait3A_71 = tpu.memref_slice %arg7[%rem3A_63, %dma_wait3A_70] : memref<2x80xi32, #tpu.memory_space<vmem>> -> memref<1x80xi32, #tpu.memory_space<vmem>>
      %dma_wait3A_72 = tpu.memref_squeeze %dma_wait3A_71 : memref<1x80xi32, #tpu.memory_space<vmem>> -> memref<80xi32, #tpu.memory_space<vmem>>
      %dma_wait3A_73 = arith.constant 0 : i32
      %dma_wait3A_74 = arith.constant 0 : i32
      %dma_wait3A_75 = tpu.memref_slice %arg2[%dma_wait3A_73, %dma_wait3A_74] : memref<10000x128xf32, #tpu.memory_space<hbm>> -> memref<10000x128xf32, #tpu.memory_space<hbm>>
      tpu.wait_indirect_dma semaphore(%arg11 : memref<!tpu.dma_semaphore, #tpu.memory_space<semaphore_mem>>) src(%dma_wait3A_75 : memref<10000x128xf32, #tpu.memory_space<hbm>>) dst(%dma_wait3A_69 : memref<80x128xf32, #tpu.memory_space<vmem>>)
      %lt3A_76 = arith.constant 124 : i32
      %lt3A_77 = arith.cmpi slt, %scan3A_62, %lt3A_76 : i32
      %convert_element_type3A_78 = arith.extui %lt3A_77 : i1 to i32
      %cond3A_79 = arith.constant 0 : i32
      %cond3A_80 = arith.cmpi ne, %convert_element_type3A_78, %cond3A_79 : i32
      scf.if %cond3A_80 {
        %dma_start3A_86 = arith.constant 0 : i32
        %dma_start3A_87 = arith.constant 0 : i32
        %dma_start3A_88 = tpu.memref_slice %arg9[%sub3A_64, %dma_start3A_86, %dma_start3A_87] : memref<2x80x128xf32, #tpu.memory_space<vmem>> -> memref<1x80x128xf32, #tpu.memory_space<vmem>>
        %dma_start3A_89 = tpu.memref_squeeze %dma_start3A_88 : memref<1x80x128xf32, #tpu.memory_space<vmem>> -> memref<80x128xf32, #tpu.memory_space<vmem>>
        %dma_start3A_90 = arith.constant 0 : i32
        %dma_start3A_91 = tpu.memref_slice %arg7[%sub3A_64, %dma_start3A_90] : memref<2x80xi32, #tpu.memory_space<vmem>> -> memref<1x80xi32, #tpu.memory_space<vmem>>
        %dma_start3A_92 = tpu.memref_squeeze %dma_start3A_91 : memref<1x80xi32, #tpu.memory_space<vmem>> -> memref<80xi32, #tpu.memory_space<vmem>>
        %dma_start3A_93 = arith.constant 0 : i32
        %dma_start3A_94 = arith.constant 0 : i32
        %dma_start3A_95 = tpu.memref_slice %arg2[%dma_start3A_93, %dma_start3A_94] : memref<10000x128xf32, #tpu.memory_space<hbm>> -> memref<10000x128xf32, #tpu.memory_space<hbm>>
        tpu.enqueue_indirect_dma source(%dma_start3A_95 : memref<10000x128xf32, #tpu.memory_space<hbm>>) target(%dma_start3A_89 : memref<80x128xf32, #tpu.memory_space<vmem>>) offsets(%dma_start3A_92 : memref<80xi32, #tpu.memory_space<vmem>>) semaphore(%arg11 : memref<!tpu.dma_semaphore, #tpu.memory_space<semaphore_mem>>)
      } else {
      }
      "tpu.region"() ({
        %run_scoped3A_86 = tpu.sem_alloc : memref<!tpu.dma_semaphore, #tpu.memory_space<semaphore_mem>>
        %dma_start3A_87 = arith.constant 0 : i32
        %dma_start3A_88 = arith.constant 0 : i32
        %dma_start3A_89 = tpu.memref_slice %arg9[%rem3A_63, %dma_start3A_87, %dma_start3A_88] : memref<2x80x128xf32, #tpu.memory_space<vmem>> -> memref<1x80x128xf32, #tpu.memory_space<vmem>>
        %dma_start3A_90 = tpu.memref_squeeze %dma_start3A_89 : memref<1x80x128xf32, #tpu.memory_space<vmem>> -> memref<80x128xf32, #tpu.memory_space<vmem>>
        %dma_start3A_91 = arith.constant 0 : i32
        %dma_start3A_92 = tpu.memref_slice %arg8[%rem3A_63, %dma_start3A_91] : memref<2x80xi32, #tpu.memory_space<vmem>> -> memref<1x80xi32, #tpu.memory_space<vmem>>
        %dma_start3A_93 = tpu.memref_squeeze %dma_start3A_92 : memref<1x80xi32, #tpu.memory_space<vmem>> -> memref<80xi32, #tpu.memory_space<vmem>>
        %dma_start3A_94 = arith.constant 0 : i32
        %dma_start3A_95 = arith.constant 0 : i32
        %dma_start3A_96 = tpu.memref_slice %arg6[%dma_start3A_94, %dma_start3A_95] : memref<10000x128xf32, #tpu.memory_space<vmem_shared>> -> memref<10000x128xf32, #tpu.memory_space<vmem_shared>>
        tpu.enqueue_indirect_dma source(%dma_start3A_90 : memref<80x128xf32, #tpu.memory_space<vmem>>) target(%dma_start3A_96 : memref<10000x128xf32, #tpu.memory_space<vmem_shared>>) offsets(%dma_start3A_93 : memref<80xi32, #tpu.memory_space<vmem>>) semaphore(%run_scoped3A_86 : memref<!tpu.dma_semaphore, #tpu.memory_space<semaphore_mem>>) {add = true}
        %dma_wait3A_97 = arith.constant 0 : i32
        %dma_wait3A_98 = arith.constant 0 : i32
        %dma_wait3A_99 = tpu.memref_slice %arg9[%rem3A_63, %dma_wait3A_97, %dma_wait3A_98] : memref<2x80x128xf32, #tpu.memory_space<vmem>> -> memref<1x80x128xf32, #tpu.memory_space<vmem>>
        %dma_wait3A_100 = tpu.memref_squeeze %dma_wait3A_99 : memref<1x80x128xf32, #tpu.memory_space<vmem>> -> memref<80x128xf32, #tpu.memory_space<vmem>>
        %dma_wait3A_101 = arith.constant 0 : i32
        %dma_wait3A_102 = tpu.memref_slice %arg8[%rem3A_63, %dma_wait3A_101] : memref<2x80xi32, #tpu.memory_space<vmem>> -> memref<1x80xi32, #tpu.memory_space<vmem>>
        %dma_wait3A_103 = tpu.memref_squeeze %dma_wait3A_102 : memref<1x80xi32, #tpu.memory_space<vmem>> -> memref<80xi32, #tpu.memory_space<vmem>>
        %dma_wait3A_104 = arith.constant 0 : i32
        %dma_wait3A_105 = arith.constant 0 : i32
        %dma_wait3A_106 = tpu.memref_slice %arg6[%dma_wait3A_104, %dma_wait3A_105] : memref<10000x128xf32, #tpu.memory_space<vmem_shared>> -> memref<10000x128xf32, #tpu.memory_space<vmem_shared>>
        tpu.wait_indirect_dma semaphore(%run_scoped3A_86 : memref<!tpu.dma_semaphore, #tpu.memory_space<semaphore_mem>>) src(%dma_wait3A_100 : memref<80x128xf32, #tpu.memory_space<vmem>>) dst(%dma_wait3A_106 : memref<10000x128xf32, #tpu.memory_space<vmem_shared>>)
        tpu.yield
      }) : () -> ()
      %lt3A_81 = arith.constant 123 : i32
      %lt3A_82 = arith.cmpi slt, %scan3A_62, %lt3A_81 : i32
      %convert_element_type3A_83 = arith.extui %lt3A_82 : i1 to i32
      %cond3A_84 = arith.constant 0 : i32
      %cond3A_85 = arith.cmpi ne, %convert_element_type3A_83, %cond3A_84 : i32
      scf.if %cond3A_85 {
        %add3A_86 = arith.constant 2 : i32
        %add3A_87 = arith.addi %scan3A_62, %add3A_86 : i32
        %mul3A_88 = arith.constant 80 : i32
        %mul3A_89 = arith.muli %add3A_87, %mul3A_88 : i32
        %add3A_90 = arith.addi %add3A, %mul3A_89 : i32
        %dma_start3A_91 = arith.constant 0 : i32
        %dma_start3A_92 = tpu.memref_slice %arg7[%rem3A_63, %dma_start3A_91] : memref<2x80xi32, #tpu.memory_space<vmem>> -> memref<1x80xi32, #tpu.memory_space<vmem>>
        %dma_start3A_93 = tpu.memref_squeeze %dma_start3A_92 : memref<1x80xi32, #tpu.memory_space<vmem>> -> memref<80xi32, #tpu.memory_space<vmem>>
        %dma_start3A_94 = tpu.memref_slice %arg3[%add3A_90] : memref<320000xi32, #tpu.memory_space<hbm>> -> memref<80xi32, #tpu.memory_space<hbm>>
        %dma_start3A_95 = arith.constant 0 : i32
        %dma_start3A_96 = tpu.memref_slice %arg7[%rem3A_63, %dma_start3A_95] : memref<2x80xi32, #tpu.memory_space<vmem>> -> memref<1x80xi32, #tpu.memory_space<vmem>>
        %dma_start3A_97 = tpu.memref_squeeze %dma_start3A_96 : memref<1x80xi32, #tpu.memory_space<vmem>> -> memref<80xi32, #tpu.memory_space<vmem>>
        %dma_start3A_98 = tpu.memref_slice %arg3[%add3A_90] : memref<320000xi32, #tpu.memory_space<hbm>> -> memref<80xi32, #tpu.memory_space<hbm>>
        tpu.enqueue_dma source(%dma_start3A_98 : memref<80xi32, #tpu.memory_space<hbm>>) target(%dma_start3A_97 : memref<80xi32, #tpu.memory_space<vmem>>) target_semaphore(%arg12 : memref<!tpu.dma_semaphore, #tpu.memory_space<semaphore_mem>>)
        %dma_start3A_99 = arith.constant 0 : i32
        %dma_start3A_100 = tpu.memref_slice %arg8[%rem3A_63, %dma_start3A_99] : memref<2x80xi32, #tpu.memory_space<vmem>> -> memref<1x80xi32, #tpu.memory_space<vmem>>
        %dma_start3A_101 = tpu.memref_squeeze %dma_start3A_100 : memref<1x80xi32, #tpu.memory_space<vmem>> -> memref<80xi32, #tpu.memory_space<vmem>>
        %dma_start3A_102 = tpu.memref_slice %arg4[%add3A_90] : memref<320000xi32, #tpu.memory_space<hbm>> -> memref<80xi32, #tpu.memory_space<hbm>>
        %dma_start3A_103 = arith.constant 0 : i32
        %dma_start3A_104 = tpu.memref_slice %arg8[%rem3A_63, %dma_start3A_103] : memref<2x80xi32, #tpu.memory_space<vmem>> -> memref<1x80xi32, #tpu.memory_space<vmem>>
        %dma_start3A_105 = tpu.memref_squeeze %dma_start3A_104 : memref<1x80xi32, #tpu.memory_space<vmem>> -> memref<80xi32, #tpu.memory_space<vmem>>
        %dma_start3A_106 = tpu.memref_slice %arg4[%add3A_90] : memref<320000xi32, #tpu.memory_space<hbm>> -> memref<80xi32, #tpu.memory_space<hbm>>
        tpu.enqueue_dma source(%dma_start3A_106 : memref<80xi32, #tpu.memory_space<hbm>>) target(%dma_start3A_105 : memref<80xi32, #tpu.memory_space<vmem>>) target_semaphore(%arg12 : memref<!tpu.dma_semaphore, #tpu.memory_space<semaphore_mem>>)
      } else {
      }
    }
    %scan3A_54 = arith.constant 125 : i32
    %barrier3A_55 = arith.constant 0 : index
    tpu.barrier barrier_id(%barrier3A_55)
    %scan3A_56 = arith.constant 0 : i32
    %scan3A_57 = arith.constant 0 : i32
    %scan3A_58 = arith.constant 8 : i32
    %scan3A_59 = arith.addi %scan3A_57, %scan3A_58 : i32
    %scan3A_60 = arith.constant 1 : i32
    scf.for %scan3A_62 = %scan3A_57 to %scan3A_59 step %scan3A_60  : i32 {
      %mul3A_63 = arith.constant 16 : i32
      %mul3A_64 = arith.muli %scan3A_62, %mul3A_63 : i32
      %add3A_65 = arith.addi %arg1, %mul3A_64 : i32
      %lt3A = arith.constant 125 : i32
      %lt3A_66 = arith.cmpi slt, %add3A_65, %lt3A : i32
      %convert_element_type3A = arith.extui %lt3A_66 : i1 to i32
      %cond3A = arith.constant 0 : i32
      %cond3A_67 = arith.cmpi ne, %convert_element_type3A, %cond3A : i32
      scf.if %cond3A_67 {
        %mul3A_68 = arith.constant 80 : i32
        %mul3A_69 = arith.muli %add3A_65, %mul3A_68 : i32
        %mul3A_70 = arith.constant 80 : i32
        %mul3A_71 = arith.muli %add3A_65, %mul3A_70 : i32
        "tpu.region"() ({
          %run_scoped3A_72 = tpu.sem_alloc : memref<!tpu.dma_semaphore, #tpu.memory_space<semaphore_mem>>
          %dma_start3A_73 = arith.constant 0 : i32
          %dma_start3A_74 = tpu.memref_slice %arg5[%arg0, %mul3A_71, %dma_start3A_73] : memref<2x10000x128xf32, #tpu.memory_space<hbm>> -> memref<1x80x128xf32, #tpu.memory_space<hbm>>
          %dma_start3A_75 = tpu.memref_squeeze %dma_start3A_74 : memref<1x80x128xf32, #tpu.memory_space<hbm>> -> memref<80x128xf32, #tpu.memory_space<hbm>>
          %dma_start3A_76 = arith.constant 0 : i32
          %dma_start3A_77 = tpu.memref_slice %arg6[%mul3A_69, %dma_start3A_76] : memref<10000x128xf32, #tpu.memory_space<vmem_shared>> -> memref<80x128xf32, #tpu.memory_space<vmem_shared>>
          tpu.enqueue_dma source(%dma_start3A_77 : memref<80x128xf32, #tpu.memory_space<vmem_shared>>) target(%dma_start3A_75 : memref<80x128xf32, #tpu.memory_space<hbm>>) target_semaphore(%run_scoped3A_72 : memref<!tpu.dma_semaphore, #tpu.memory_space<semaphore_mem>>)
          %dma_wait3A = arith.constant 0 : i32
          %dma_wait3A_78 = tpu.memref_slice %arg5[%arg0, %mul3A_71, %dma_wait3A] : memref<2x10000x128xf32, #tpu.memory_space<hbm>> -> memref<1x80x128xf32, #tpu.memory_space<hbm>>
          %dma_wait3A_79 = tpu.memref_squeeze %dma_wait3A_78 : memref<1x80x128xf32, #tpu.memory_space<hbm>> -> memref<80x128xf32, #tpu.memory_space<hbm>>
          %dma_wait3A_80 = arith.constant 0 : i32
          %dma_wait3A_81 = tpu.memref_slice %arg6[%mul3A_69, %dma_wait3A_80] : memref<10000x128xf32, #tpu.memory_space<vmem_shared>> -> memref<80x128xf32, #tpu.memory_space<vmem_shared>>
          tpu.wait_dma2 semaphore(%run_scoped3A_72 : memref<!tpu.dma_semaphore, #tpu.memory_space<semaphore_mem>>) src(%dma_wait3A_81 : memref<80x128xf32, #tpu.memory_space<vmem_shared>>) dst(%dma_wait3A_79 : memref<80x128xf32, #tpu.memory_space<hbm>>)
          tpu.yield
        }) : () -> ()
      } else {
      }
    }
    %scan3A_61 = arith.constant 8 : i32
    return
  }
}

#map = affine_map<(d0, d1) -> (0, 0)>
#map1 = affine_map<(d0, d1) -> (0)>
#map2 = affine_map<(d0, d1) -> (0, 0, 0)>
module attributes {stable_mosaic.version = 14 : i64} {
  func.func @sc_segment_sum_deg(%arg0: i32, %arg1: i32, %arg2: memref<10000x128xf32, #tpu.memory_space<hbm>>, %arg3: memref<320000xi32, #tpu.memory_space<hbm>>, %arg4: memref<320000xi32, #tpu.memory_space<hbm>>, %arg5: memref<2x10000x128xf32, #tpu.memory_space<hbm>>, %arg6: memref<2x10000x16xf32, #tpu.memory_space<hbm>>, %arg7: memref<10000x128xf32, #tpu.memory_space<vmem_shared>>, %arg8: memref<2x80xi32, #tpu.memory_space<vmem>>, %arg9: memref<2x80xi32, #tpu.memory_space<vmem>>, %arg10: memref<2x80x128xf32, #tpu.memory_space<vmem>>, %arg11: memref<80x128xf32, #tpu.memory_space<vmem>>, %arg12: memref<!tpu.dma_semaphore, #tpu.memory_space<semaphore_mem>>, %arg13: memref<!tpu.dma_semaphore, #tpu.memory_space<semaphore_mem>>, %arg14: memref<10000x16xf32, #tpu.memory_space<vmem_shared>>, %arg15: memref<80x16xf32, #tpu.memory_space<vmem>>, %arg16: memref<80x16xf32, #tpu.memory_space<vmem>>) attributes {dimension_semantics = [#tpu.dimension_semantics<core_parallel>, #tpu.dimension_semantics<subcore_parallel>], iteration_bounds = array<i64: 2, 16>, scalar_prefetch = 0 : i64, scratch_operands = 10 : i64, tpu.core_type = #tpu.core_type<sc_vector_subcore>, window_params = [{transform_indices = #map}, {transform_indices = #map1}, {transform_indices = #map1}, {transform_indices = #map2}, {transform_indices = #map2}]} {
    %broadcast_in_dim3A = arith.constant 0.000000e+00 : f32
    %broadcast_in_dim3A_0 = vector.broadcast %broadcast_in_dim3A : f32 to vector<16xf32>
    %scan3A = arith.constant 0 : i32
    %scan3A_1 = arith.constant 0 : i32
    %scan3A_2 = arith.constant 80 : i32
    %scan3A_3 = arith.addi %scan3A_1, %scan3A_2 : i32
    %scan3A_4 = arith.constant 1 : i32
    scf.for %scan3A_78 = %scan3A_1 to %scan3A_3 step %scan3A_4  : i32 {
      %swap3A = arith.index_cast %scan3A_78 : i32 to index
      %swap3A_79 = arith.constant 0 : index
      %swap3A_80 = tpu.vector_load %arg11[%swap3A, %swap3A_79] {strides = array<i32>} : memref<80x128xf32, #tpu.memory_space<vmem>>, vector<1x16xf32>,
      %swap3A_81 = vector.shape_cast %swap3A_80 : vector<1x16xf32> to vector<16xf32>
      %swap3A_82 = vector.shape_cast %broadcast_in_dim3A_0 : vector<16xf32> to vector<1x16xf32>
      tpu.vector_store %arg11[%swap3A, %swap3A_79], %swap3A_82 {strides = array<i32>} : memref<80x128xf32, #tpu.memory_space<vmem>>, vector<1x16xf32>,
      %swap3A_83 = arith.index_cast %scan3A_78 : i32 to index
      %swap3A_84 = arith.constant 16 : index
      %swap3A_85 = tpu.vector_load %arg11[%swap3A_83, %swap3A_84] {strides = array<i32>} : memref<80x128xf32, #tpu.memory_space<vmem>>, vector<1x16xf32>,
      %swap3A_86 = vector.shape_cast %swap3A_85 : vector<1x16xf32> to vector<16xf32>
      %swap3A_87 = vector.shape_cast %broadcast_in_dim3A_0 : vector<16xf32> to vector<1x16xf32>
      tpu.vector_store %arg11[%swap3A_83, %swap3A_84], %swap3A_87 {strides = array<i32>} : memref<80x128xf32, #tpu.memory_space<vmem>>, vector<1x16xf32>,
      %swap3A_88 = arith.index_cast %scan3A_78 : i32 to index
      %swap3A_89 = arith.constant 32 : index
      %swap3A_90 = tpu.vector_load %arg11[%swap3A_88, %swap3A_89] {strides = array<i32>} : memref<80x128xf32, #tpu.memory_space<vmem>>, vector<1x16xf32>,
      %swap3A_91 = vector.shape_cast %swap3A_90 : vector<1x16xf32> to vector<16xf32>
      %swap3A_92 = vector.shape_cast %broadcast_in_dim3A_0 : vector<16xf32> to vector<1x16xf32>
      tpu.vector_store %arg11[%swap3A_88, %swap3A_89], %swap3A_92 {strides = array<i32>} : memref<80x128xf32, #tpu.memory_space<vmem>>, vector<1x16xf32>,
      %swap3A_93 = arith.index_cast %scan3A_78 : i32 to index
      %swap3A_94 = arith.constant 48 : index
      %swap3A_95 = tpu.vector_load %arg11[%swap3A_93, %swap3A_94] {strides = array<i32>} : memref<80x128xf32, #tpu.memory_space<vmem>>, vector<1x16xf32>,
      %swap3A_96 = vector.shape_cast %swap3A_95 : vector<1x16xf32> to vector<16xf32>
      %swap3A_97 = vector.shape_cast %broadcast_in_dim3A_0 : vector<16xf32> to vector<1x16xf32>
      tpu.vector_store %arg11[%swap3A_93, %swap3A_94], %swap3A_97 {strides = array<i32>} : memref<80x128xf32, #tpu.memory_space<vmem>>, vector<1x16xf32>,
      %swap3A_98 = arith.index_cast %scan3A_78 : i32 to index
      %swap3A_99 = arith.constant 64 : index
      %swap3A_100 = tpu.vector_load %arg11[%swap3A_98, %swap3A_99] {strides = array<i32>} : memref<80x128xf32, #tpu.memory_space<vmem>>, vector<1x16xf32>,
      %swap3A_101 = vector.shape_cast %swap3A_100 : vector<1x16xf32> to vector<16xf32>
      %swap3A_102 = vector.shape_cast %broadcast_in_dim3A_0 : vector<16xf32> to vector<1x16xf32>
      tpu.vector_store %arg11[%swap3A_98, %swap3A_99], %swap3A_102 {strides = array<i32>} : memref<80x128xf32, #tpu.memory_space<vmem>>, vector<1x16xf32>,
      %swap3A_103 = arith.index_cast %scan3A_78 : i32 to index
      %swap3A_104 = arith.constant 80 : index
      %swap3A_105 = tpu.vector_load %arg11[%swap3A_103, %swap3A_104] {strides = array<i32>} : memref<80x128xf32, #tpu.memory_space<vmem>>, vector<1x16xf32>,
      %swap3A_106 = vector.shape_cast %swap3A_105 : vector<1x16xf32> to vector<16xf32>
      %swap3A_107 = vector.shape_cast %broadcast_in_dim3A_0 : vector<16xf32> to vector<1x16xf32>
      tpu.vector_store %arg11[%swap3A_103, %swap3A_104], %swap3A_107 {strides = array<i32>} : memref<80x128xf32, #tpu.memory_space<vmem>>, vector<1x16xf32>,
      %swap3A_108 = arith.index_cast %scan3A_78 : i32 to index
      %swap3A_109 = arith.constant 96 : index
      %swap3A_110 = tpu.vector_load %arg11[%swap3A_108, %swap3A_109] {strides = array<i32>} : memref<80x128xf32, #tpu.memory_space<vmem>>, vector<1x16xf32>,
      %swap3A_111 = vector.shape_cast %swap3A_110 : vector<1x16xf32> to vector<16xf32>
      %swap3A_112 = vector.shape_cast %broadcast_in_dim3A_0 : vector<16xf32> to vector<1x16xf32>
      tpu.vector_store %arg11[%swap3A_108, %swap3A_109], %swap3A_112 {strides = array<i32>} : memref<80x128xf32, #tpu.memory_space<vmem>>, vector<1x16xf32>,
      %swap3A_113 = arith.index_cast %scan3A_78 : i32 to index
      %swap3A_114 = arith.constant 112 : index
      %swap3A_115 = tpu.vector_load %arg11[%swap3A_113, %swap3A_114] {strides = array<i32>} : memref<80x128xf32, #tpu.memory_space<vmem>>, vector<1x16xf32>,
      %swap3A_116 = vector.shape_cast %swap3A_115 : vector<1x16xf32> to vector<16xf32>
      %swap3A_117 = vector.shape_cast %broadcast_in_dim3A_0 : vector<16xf32> to vector<1x16xf32>
      tpu.vector_store %arg11[%swap3A_113, %swap3A_114], %swap3A_117 {strides = array<i32>} : memref<80x128xf32, #tpu.memory_space<vmem>>, vector<1x16xf32>,
    }
    %scan3A_5 = arith.constant 80 : i32
    %broadcast_in_dim3A_6 = arith.constant 0.000000e+00 : f32
    %broadcast_in_dim3A_7 = vector.broadcast %broadcast_in_dim3A_6 : f32 to vector<16xf32>
    %scan3A_8 = arith.constant 0 : i32
    %scan3A_9 = arith.constant 0 : i32
    %scan3A_10 = arith.constant 80 : i32
    %scan3A_11 = arith.addi %scan3A_9, %scan3A_10 : i32
    %scan3A_12 = arith.constant 1 : i32
    scf.for %scan3A_78 = %scan3A_9 to %scan3A_11 step %scan3A_12  : i32 {
      %swap3A = arith.index_cast %scan3A_78 : i32 to index
      %swap3A_79 = arith.constant 0 : index
      %swap3A_80 = tpu.vector_load %arg16[%swap3A, %swap3A_79] {strides = array<i32>} : memref<80x16xf32, #tpu.memory_space<vmem>>, vector<1x16xf32>,
      %swap3A_81 = vector.shape_cast %swap3A_80 : vector<1x16xf32> to vector<16xf32>
      %swap3A_82 = vector.shape_cast %broadcast_in_dim3A_7 : vector<16xf32> to vector<1x16xf32>
      tpu.vector_store %arg16[%swap3A, %swap3A_79], %swap3A_82 {strides = array<i32>} : memref<80x16xf32, #tpu.memory_space<vmem>>, vector<1x16xf32>,
    }
    %scan3A_13 = arith.constant 80 : i32
    %broadcast_in_dim3A_14 = arith.constant 1.000000e+00 : f32
    %broadcast_in_dim3A_15 = vector.broadcast %broadcast_in_dim3A_14 : f32 to vector<16xf32>
    %scan3A_16 = arith.constant 0 : i32
    %scan3A_17 = arith.constant 0 : i32
    %scan3A_18 = arith.constant 80 : i32
    %scan3A_19 = arith.addi %scan3A_17, %scan3A_18 : i32
    %scan3A_20 = arith.constant 1 : i32
    scf.for %scan3A_78 = %scan3A_17 to %scan3A_19 step %scan3A_20  : i32 {
      %swap3A = arith.index_cast %scan3A_78 : i32 to index
      %swap3A_79 = arith.constant 0 : index
      %swap3A_80 = tpu.vector_load %arg15[%swap3A, %swap3A_79] {strides = array<i32>} : memref<80x16xf32, #tpu.memory_space<vmem>>, vector<1x16xf32>,
      %swap3A_81 = vector.shape_cast %swap3A_80 : vector<1x16xf32> to vector<16xf32>
      %swap3A_82 = vector.shape_cast %broadcast_in_dim3A_15 : vector<16xf32> to vector<1x16xf32>
      tpu.vector_store %arg15[%swap3A, %swap3A_79], %swap3A_82 {strides = array<i32>} : memref<80x16xf32, #tpu.memory_space<vmem>>, vector<1x16xf32>,
    }
    %scan3A_21 = arith.constant 80 : i32
    %scan3A_22 = arith.constant 0 : i32
    %scan3A_23 = arith.constant 0 : i32
    %scan3A_24 = arith.constant 8 : i32
    %scan3A_25 = arith.addi %scan3A_23, %scan3A_24 : i32
    %scan3A_26 = arith.constant 1 : i32
    scf.for %scan3A_78 = %scan3A_23 to %scan3A_25 step %scan3A_26  : i32 {
      %mul3A_79 = arith.constant 16 : i32
      %mul3A_80 = arith.muli %scan3A_78, %mul3A_79 : i32
      %add3A_81 = arith.addi %arg1, %mul3A_80 : i32
      %lt3A = arith.constant 125 : i32
      %lt3A_82 = arith.cmpi slt, %add3A_81, %lt3A : i32
      %convert_element_type3A = arith.extui %lt3A_82 : i1 to i32
      %cond3A = arith.constant 0 : i32
      %cond3A_83 = arith.cmpi ne, %convert_element_type3A, %cond3A : i32
      scf.if %cond3A_83 {
        %mul3A_84 = arith.constant 80 : i32
        %mul3A_85 = arith.muli %add3A_81, %mul3A_84 : i32
        "tpu.region"() ({
          %run_scoped3A_88 = tpu.sem_alloc : memref<!tpu.dma_semaphore, #tpu.memory_space<semaphore_mem>>
          %dma_start3A_89 = arith.constant 0 : i32
          %dma_start3A_90 = tpu.memref_slice %arg7[%mul3A_85, %dma_start3A_89] : memref<10000x128xf32, #tpu.memory_space<vmem_shared>> -> memref<80x128xf32, #tpu.memory_space<vmem_shared>>
          %dma_start3A_91 = arith.constant 0 : i32
          %dma_start3A_92 = tpu.memref_slice %arg7[%mul3A_85, %dma_start3A_91] : memref<10000x128xf32, #tpu.memory_space<vmem_shared>> -> memref<80x128xf32, #tpu.memory_space<vmem_shared>>
          tpu.enqueue_dma source(%arg11 : memref<80x128xf32, #tpu.memory_space<vmem>>) target(%dma_start3A_92 : memref<80x128xf32, #tpu.memory_space<vmem_shared>>) target_semaphore(%run_scoped3A_88 : memref<!tpu.dma_semaphore, #tpu.memory_space<semaphore_mem>>)
          %dma_wait3A = arith.constant 0 : i32
          %dma_wait3A_93 = tpu.memref_slice %arg7[%mul3A_85, %dma_wait3A] : memref<10000x128xf32, #tpu.memory_space<vmem_shared>> -> memref<80x128xf32, #tpu.memory_space<vmem_shared>>
          %dma_wait3A_94 = arith.constant 0 : i32
          %dma_wait3A_95 = tpu.memref_slice %arg7[%mul3A_85, %dma_wait3A_94] : memref<10000x128xf32, #tpu.memory_space<vmem_shared>> -> memref<80x128xf32, #tpu.memory_space<vmem_shared>>
          tpu.wait_dma2 semaphore(%run_scoped3A_88 : memref<!tpu.dma_semaphore, #tpu.memory_space<semaphore_mem>>) src(%arg11 : memref<80x128xf32, #tpu.memory_space<vmem>>) dst(%dma_wait3A_95 : memref<80x128xf32, #tpu.memory_space<vmem_shared>>)
          tpu.yield
        }) : () -> ()
        %mul3A_86 = arith.constant 80 : i32
        %mul3A_87 = arith.muli %add3A_81, %mul3A_86 : i32
        "tpu.region"() ({
          %run_scoped3A_88 = tpu.sem_alloc : memref<!tpu.dma_semaphore, #tpu.memory_space<semaphore_mem>>
          %dma_start3A_89 = arith.constant 0 : i32
          %dma_start3A_90 = tpu.memref_slice %arg14[%mul3A_87, %dma_start3A_89] : memref<10000x16xf32, #tpu.memory_space<vmem_shared>> -> memref<80x16xf32, #tpu.memory_space<vmem_shared>>
          %dma_start3A_91 = arith.constant 0 : i32
          %dma_start3A_92 = tpu.memref_slice %arg14[%mul3A_87, %dma_start3A_91] : memref<10000x16xf32, #tpu.memory_space<vmem_shared>> -> memref<80x16xf32, #tpu.memory_space<vmem_shared>>
          tpu.enqueue_dma source(%arg16 : memref<80x16xf32, #tpu.memory_space<vmem>>) target(%dma_start3A_92 : memref<80x16xf32, #tpu.memory_space<vmem_shared>>) target_semaphore(%run_scoped3A_88 : memref<!tpu.dma_semaphore, #tpu.memory_space<semaphore_mem>>)
          %dma_wait3A = arith.constant 0 : i32
          %dma_wait3A_93 = tpu.memref_slice %arg14[%mul3A_87, %dma_wait3A] : memref<10000x16xf32, #tpu.memory_space<vmem_shared>> -> memref<80x16xf32, #tpu.memory_space<vmem_shared>>
          %dma_wait3A_94 = arith.constant 0 : i32
          %dma_wait3A_95 = tpu.memref_slice %arg14[%mul3A_87, %dma_wait3A_94] : memref<10000x16xf32, #tpu.memory_space<vmem_shared>> -> memref<80x16xf32, #tpu.memory_space<vmem_shared>>
          tpu.wait_dma2 semaphore(%run_scoped3A_88 : memref<!tpu.dma_semaphore, #tpu.memory_space<semaphore_mem>>) src(%arg16 : memref<80x16xf32, #tpu.memory_space<vmem>>) dst(%dma_wait3A_95 : memref<80x16xf32, #tpu.memory_space<vmem_shared>>)
          tpu.yield
        }) : () -> ()
      } else {
      }
    }
    %scan3A_27 = arith.constant 8 : i32
    %barrier3A = arith.constant 0 : index
    tpu.barrier barrier_id(%barrier3A)
    %mul3A = arith.constant 160000 : i32
    %mul3A_28 = arith.muli %arg0, %mul3A : i32
    %mul3A_29 = arith.constant 10000 : i32
    %mul3A_30 = arith.muli %arg1, %mul3A_29 : i32
    %add3A = arith.addi %mul3A_28, %mul3A_30 : i32
    %run_scoped3A = arith.constant 0 : i32
    "tpu.region"() ({
      %run_scoped3A_78 = tpu.sem_alloc : memref<!tpu.dma_semaphore, #tpu.memory_space<semaphore_mem>>
      %dma_start3A_79 = arith.constant 0 : i32
      %dma_start3A_80 = tpu.memref_slice %arg8[%run_scoped3A, %dma_start3A_79] : memref<2x80xi32, #tpu.memory_space<vmem>> -> memref<1x80xi32, #tpu.memory_space<vmem>>
      %dma_start3A_81 = tpu.memref_squeeze %dma_start3A_80 : memref<1x80xi32, #tpu.memory_space<vmem>> -> memref<80xi32, #tpu.memory_space<vmem>>
      %dma_start3A_82 = tpu.memref_slice %arg3[%add3A] : memref<320000xi32, #tpu.memory_space<hbm>> -> memref<80xi32, #tpu.memory_space<hbm>>
      %dma_start3A_83 = arith.constant 0 : i32
      %dma_start3A_84 = tpu.memref_slice %arg8[%run_scoped3A, %dma_start3A_83] : memref<2x80xi32, #tpu.memory_space<vmem>> -> memref<1x80xi32, #tpu.memory_space<vmem>>
      %dma_start3A_85 = tpu.memref_squeeze %dma_start3A_84 : memref<1x80xi32, #tpu.memory_space<vmem>> -> memref<80xi32, #tpu.memory_space<vmem>>
      %dma_start3A_86 = tpu.memref_slice %arg3[%add3A] : memref<320000xi32, #tpu.memory_space<hbm>> -> memref<80xi32, #tpu.memory_space<hbm>>
      tpu.enqueue_dma source(%dma_start3A_86 : memref<80xi32, #tpu.memory_space<hbm>>) target(%dma_start3A_85 : memref<80xi32, #tpu.memory_space<vmem>>) target_semaphore(%run_scoped3A_78 : memref<!tpu.dma_semaphore, #tpu.memory_space<semaphore_mem>>)
      %dma_wait3A = arith.constant 0 : i32
      %dma_wait3A_87 = tpu.memref_slice %arg8[%run_scoped3A, %dma_wait3A] : memref<2x80xi32, #tpu.memory_space<vmem>> -> memref<1x80xi32, #tpu.memory_space<vmem>>
      %dma_wait3A_88 = tpu.memref_squeeze %dma_wait3A_87 : memref<1x80xi32, #tpu.memory_space<vmem>> -> memref<80xi32, #tpu.memory_space<vmem>>
      %dma_wait3A_89 = tpu.memref_slice %arg3[%add3A] : memref<320000xi32, #tpu.memory_space<hbm>> -> memref<80xi32, #tpu.memory_space<hbm>>
      %dma_wait3A_90 = arith.constant 0 : i32
      %dma_wait3A_91 = tpu.memref_slice %arg8[%run_scoped3A, %dma_wait3A_90] : memref<2x80xi32, #tpu.memory_space<vmem>> -> memref<1x80xi32, #tpu.memory_space<vmem>>
      %dma_wait3A_92 = tpu.memref_squeeze %dma_wait3A_91 : memref<1x80xi32, #tpu.memory_space<vmem>> -> memref<80xi32, #tpu.memory_space<vmem>>
      %dma_wait3A_93 = tpu.memref_slice %arg3[%add3A] : memref<320000xi32, #tpu.memory_space<hbm>> -> memref<80xi32, #tpu.memory_space<hbm>>
      tpu.wait_dma2 semaphore(%run_scoped3A_78 : memref<!tpu.dma_semaphore, #tpu.memory_space<semaphore_mem>>) src(%dma_wait3A_93 : memref<80xi32, #tpu.memory_space<hbm>>) dst(%dma_wait3A_92 : memref<80xi32, #tpu.memory_space<vmem>>)
      tpu.yield
    }) : () -> ()
    %run_scoped3A_31 = arith.constant 0 : i32
    "tpu.region"() ({
      %run_scoped3A_78 = tpu.sem_alloc : memref<!tpu.dma_semaphore, #tpu.memory_space<semaphore_mem>>
      %dma_start3A_79 = arith.constant 0 : i32
      %dma_start3A_80 = tpu.memref_slice %arg9[%run_scoped3A_31, %dma_start3A_79] : memref<2x80xi32, #tpu.memory_space<vmem>> -> memref<1x80xi32, #tpu.memory_space<vmem>>
      %dma_start3A_81 = tpu.memref_squeeze %dma_start3A_80 : memref<1x80xi32, #tpu.memory_space<vmem>> -> memref<80xi32, #tpu.memory_space<vmem>>
      %dma_start3A_82 = tpu.memref_slice %arg4[%add3A] : memref<320000xi32, #tpu.memory_space<hbm>> -> memref<80xi32, #tpu.memory_space<hbm>>
      %dma_start3A_83 = arith.constant 0 : i32
      %dma_start3A_84 = tpu.memref_slice %arg9[%run_scoped3A_31, %dma_start3A_83] : memref<2x80xi32, #tpu.memory_space<vmem>> -> memref<1x80xi32, #tpu.memory_space<vmem>>
      %dma_start3A_85 = tpu.memref_squeeze %dma_start3A_84 : memref<1x80xi32, #tpu.memory_space<vmem>> -> memref<80xi32, #tpu.memory_space<vmem>>
      %dma_start3A_86 = tpu.memref_slice %arg4[%add3A] : memref<320000xi32, #tpu.memory_space<hbm>> -> memref<80xi32, #tpu.memory_space<hbm>>
      tpu.enqueue_dma source(%dma_start3A_86 : memref<80xi32, #tpu.memory_space<hbm>>) target(%dma_start3A_85 : memref<80xi32, #tpu.memory_space<vmem>>) target_semaphore(%run_scoped3A_78 : memref<!tpu.dma_semaphore, #tpu.memory_space<semaphore_mem>>)
      %dma_wait3A = arith.constant 0 : i32
      %dma_wait3A_87 = tpu.memref_slice %arg9[%run_scoped3A_31, %dma_wait3A] : memref<2x80xi32, #tpu.memory_space<vmem>> -> memref<1x80xi32, #tpu.memory_space<vmem>>
      %dma_wait3A_88 = tpu.memref_squeeze %dma_wait3A_87 : memref<1x80xi32, #tpu.memory_space<vmem>> -> memref<80xi32, #tpu.memory_space<vmem>>
      %dma_wait3A_89 = tpu.memref_slice %arg4[%add3A] : memref<320000xi32, #tpu.memory_space<hbm>> -> memref<80xi32, #tpu.memory_space<hbm>>
      %dma_wait3A_90 = arith.constant 0 : i32
      %dma_wait3A_91 = tpu.memref_slice %arg9[%run_scoped3A_31, %dma_wait3A_90] : memref<2x80xi32, #tpu.memory_space<vmem>> -> memref<1x80xi32, #tpu.memory_space<vmem>>
      %dma_wait3A_92 = tpu.memref_squeeze %dma_wait3A_91 : memref<1x80xi32, #tpu.memory_space<vmem>> -> memref<80xi32, #tpu.memory_space<vmem>>
      %dma_wait3A_93 = tpu.memref_slice %arg4[%add3A] : memref<320000xi32, #tpu.memory_space<hbm>> -> memref<80xi32, #tpu.memory_space<hbm>>
      tpu.wait_dma2 semaphore(%run_scoped3A_78 : memref<!tpu.dma_semaphore, #tpu.memory_space<semaphore_mem>>) src(%dma_wait3A_93 : memref<80xi32, #tpu.memory_space<hbm>>) dst(%dma_wait3A_92 : memref<80xi32, #tpu.memory_space<vmem>>)
      tpu.yield
    }) : () -> ()
    %dma_start3A = arith.constant 0 : i32
    %dma_start3A_32 = arith.constant 0 : i32
    %dma_start3A_33 = arith.constant 0 : i32
    %dma_start3A_34 = arith.constant 0 : i32
    %dma_start3A_35 = tpu.memref_slice %arg10[%dma_start3A_32, %dma_start3A_33, %dma_start3A_34] : memref<2x80x128xf32, #tpu.memory_space<vmem>> -> memref<1x80x128xf32, #tpu.memory_space<vmem>>
    %dma_start3A_36 = tpu.memref_squeeze %dma_start3A_35 : memref<1x80x128xf32, #tpu.memory_space<vmem>> -> memref<80x128xf32, #tpu.memory_space<vmem>>
    %dma_start3A_37 = arith.constant 0 : i32
    %dma_start3A_38 = tpu.memref_slice %arg8[%dma_start3A, %dma_start3A_37] : memref<2x80xi32, #tpu.memory_space<vmem>> -> memref<1x80xi32, #tpu.memory_space<vmem>>
    %dma_start3A_39 = tpu.memref_squeeze %dma_start3A_38 : memref<1x80xi32, #tpu.memory_space<vmem>> -> memref<80xi32, #tpu.memory_space<vmem>>
    %dma_start3A_40 = arith.constant 0 : i32
    %dma_start3A_41 = arith.constant 0 : i32
    %dma_start3A_42 = tpu.memref_slice %arg2[%dma_start3A_40, %dma_start3A_41] : memref<10000x128xf32, #tpu.memory_space<hbm>> -> memref<10000x128xf32, #tpu.memory_space<hbm>>
    tpu.enqueue_indirect_dma source(%dma_start3A_42 : memref<10000x128xf32, #tpu.memory_space<hbm>>) target(%dma_start3A_36 : memref<80x128xf32, #tpu.memory_space<vmem>>) offsets(%dma_start3A_39 : memref<80xi32, #tpu.memory_space<vmem>>) semaphore(%arg12 : memref<!tpu.dma_semaphore, #tpu.memory_space<semaphore_mem>>)
    %add3A_43 = arith.constant 80 : i32
    %add3A_44 = arith.addi %add3A, %add3A_43 : i32
    %dma_start3A_45 = arith.constant 1 : i32
    %dma_start3A_46 = arith.constant 0 : i32
    %dma_start3A_47 = tpu.memref_slice %arg8[%dma_start3A_45, %dma_start3A_46] : memref<2x80xi32, #tpu.memory_space<vmem>> -> memref<1x80xi32, #tpu.memory_space<vmem>>
    %dma_start3A_48 = tpu.memref_squeeze %dma_start3A_47 : memref<1x80xi32, #tpu.memory_space<vmem>> -> memref<80xi32, #tpu.memory_space<vmem>>
    %dma_start3A_49 = tpu.memref_slice %arg3[%add3A_44] : memref<320000xi32, #tpu.memory_space<hbm>> -> memref<80xi32, #tpu.memory_space<hbm>>
    %dma_start3A_50 = arith.constant 0 : i32
    %dma_start3A_51 = tpu.memref_slice %arg8[%dma_start3A_45, %dma_start3A_50] : memref<2x80xi32, #tpu.memory_space<vmem>> -> memref<1x80xi32, #tpu.memory_space<vmem>>
    %dma_start3A_52 = tpu.memref_squeeze %dma_start3A_51 : memref<1x80xi32, #tpu.memory_space<vmem>> -> memref<80xi32, #tpu.memory_space<vmem>>
    %dma_start3A_53 = tpu.memref_slice %arg3[%add3A_44] : memref<320000xi32, #tpu.memory_space<hbm>> -> memref<80xi32, #tpu.memory_space<hbm>>
    tpu.enqueue_dma source(%dma_start3A_53 : memref<80xi32, #tpu.memory_space<hbm>>) target(%dma_start3A_52 : memref<80xi32, #tpu.memory_space<vmem>>) target_semaphore(%arg13 : memref<!tpu.dma_semaphore, #tpu.memory_space<semaphore_mem>>)
    %add3A_54 = arith.constant 80 : i32
    %add3A_55 = arith.addi %add3A, %add3A_54 : i32
    %dma_start3A_56 = arith.constant 1 : i32
    %dma_start3A_57 = arith.constant 0 : i32
    %dma_start3A_58 = tpu.memref_slice %arg9[%dma_start3A_56, %dma_start3A_57] : memref<2x80xi32, #tpu.memory_space<vmem>> -> memref<1x80xi32, #tpu.memory_space<vmem>>
    %dma_start3A_59 = tpu.memref_squeeze %dma_start3A_58 : memref<1x80xi32, #tpu.memory_space<vmem>> -> memref<80xi32, #tpu.memory_space<vmem>>
    %dma_start3A_60 = tpu.memref_slice %arg4[%add3A_55] : memref<320000xi32, #tpu.memory_space<hbm>> -> memref<80xi32, #tpu.memory_space<hbm>>
    %dma_start3A_61 = arith.constant 0 : i32
    %dma_start3A_62 = tpu.memref_slice %arg9[%dma_start3A_56, %dma_start3A_61] : memref<2x80xi32, #tpu.memory_space<vmem>> -> memref<1x80xi32, #tpu.memory_space<vmem>>
    %dma_start3A_63 = tpu.memref_squeeze %dma_start3A_62 : memref<1x80xi32, #tpu.memory_space<vmem>> -> memref<80xi32, #tpu.memory_space<vmem>>
    %dma_start3A_64 = tpu.memref_slice %arg4[%add3A_55] : memref<320000xi32, #tpu.memory_space<hbm>> -> memref<80xi32, #tpu.memory_space<hbm>>
    tpu.enqueue_dma source(%dma_start3A_64 : memref<80xi32, #tpu.memory_space<hbm>>) target(%dma_start3A_63 : memref<80xi32, #tpu.memory_space<vmem>>) target_semaphore(%arg13 : memref<!tpu.dma_semaphore, #tpu.memory_space<semaphore_mem>>)
    %scan3A_65 = arith.constant 0 : i32
    %scan3A_66 = arith.constant 0 : i32
    %scan3A_67 = arith.constant 125 : i32
    %scan3A_68 = arith.addi %scan3A_66, %scan3A_67 : i32
    %scan3A_69 = arith.constant 1 : i32
    scf.for %scan3A_78 = %scan3A_66 to %scan3A_68 step %scan3A_69  : i32 {
      %rem3A = arith.constant 2 : i32
      %rem3A_79 = arith.remsi %scan3A_78, %rem3A : i32
      %sub3A = arith.constant 1 : i32
      %sub3A_80 = arith.subi %sub3A, %rem3A_79 : i32
      %lt3A = arith.constant 124 : i32
      %lt3A_81 = arith.cmpi slt, %scan3A_78, %lt3A : i32
      %convert_element_type3A = arith.extui %lt3A_81 : i1 to i32
      %cond3A = arith.constant 0 : i32
      %cond3A_82 = arith.cmpi ne, %convert_element_type3A, %cond3A : i32
      scf.if %cond3A_82 {
        %dma_wait3A_102 = arith.constant 0 : i32
        %dma_wait3A_103 = tpu.memref_slice %arg8[%sub3A_80, %dma_wait3A_102] : memref<2x80xi32, #tpu.memory_space<vmem>> -> memref<1x80xi32, #tpu.memory_space<vmem>>
        %dma_wait3A_104 = tpu.memref_squeeze %dma_wait3A_103 : memref<1x80xi32, #tpu.memory_space<vmem>> -> memref<80xi32, #tpu.memory_space<vmem>>
        %dma_wait3A_105 = arith.constant 0 : i32
        %dma_wait3A_106 = tpu.memref_slice %arg3[%dma_wait3A_105] : memref<320000xi32, #tpu.memory_space<hbm>> -> memref<80xi32, #tpu.memory_space<hbm>>
        %dma_wait3A_107 = arith.constant 0 : i32
        %dma_wait3A_108 = tpu.memref_slice %arg8[%sub3A_80, %dma_wait3A_107] : memref<2x80xi32, #tpu.memory_space<vmem>> -> memref<1x80xi32, #tpu.memory_space<vmem>>
        %dma_wait3A_109 = tpu.memref_squeeze %dma_wait3A_108 : memref<1x80xi32, #tpu.memory_space<vmem>> -> memref<80xi32, #tpu.memory_space<vmem>>
        %dma_wait3A_110 = arith.constant 0 : i32
        %dma_wait3A_111 = tpu.memref_slice %arg3[%dma_wait3A_110] : memref<320000xi32, #tpu.memory_space<hbm>> -> memref<80xi32, #tpu.memory_space<hbm>>
        tpu.wait_dma2 semaphore(%arg13 : memref<!tpu.dma_semaphore, #tpu.memory_space<semaphore_mem>>) src(%dma_wait3A_111 : memref<80xi32, #tpu.memory_space<hbm>>) dst(%dma_wait3A_109 : memref<80xi32, #tpu.memory_space<vmem>>)
        %dma_wait3A_112 = arith.constant 0 : i32
        %dma_wait3A_113 = tpu.memref_slice %arg9[%sub3A_80, %dma_wait3A_112] : memref<2x80xi32, #tpu.memory_space<vmem>> -> memref<1x80xi32, #tpu.memory_space<vmem>>
        %dma_wait3A_114 = tpu.memref_squeeze %dma_wait3A_113 : memref<1x80xi32, #tpu.memory_space<vmem>> -> memref<80xi32, #tpu.memory_space<vmem>>
        %dma_wait3A_115 = arith.constant 0 : i32
        %dma_wait3A_116 = tpu.memref_slice %arg4[%dma_wait3A_115] : memref<320000xi32, #tpu.memory_space<hbm>> -> memref<80xi32, #tpu.memory_space<hbm>>
        %dma_wait3A_117 = arith.constant 0 : i32
        %dma_wait3A_118 = tpu.memref_slice %arg9[%sub3A_80, %dma_wait3A_117] : memref<2x80xi32, #tpu.memory_space<vmem>> -> memref<1x80xi32, #tpu.memory_space<vmem>>
        %dma_wait3A_119 = tpu.memref_squeeze %dma_wait3A_118 : memref<1x80xi32, #tpu.memory_space<vmem>> -> memref<80xi32, #tpu.memory_space<vmem>>
        %dma_wait3A_120 = arith.constant 0 : i32
        %dma_wait3A_121 = tpu.memref_slice %arg4[%dma_wait3A_120] : memref<320000xi32, #tpu.memory_space<hbm>> -> memref<80xi32, #tpu.memory_space<hbm>>
        tpu.wait_dma2 semaphore(%arg13 : memref<!tpu.dma_semaphore, #tpu.memory_space<semaphore_mem>>) src(%dma_wait3A_121 : memref<80xi32, #tpu.memory_space<hbm>>) dst(%dma_wait3A_119 : memref<80xi32, #tpu.memory_space<vmem>>)
      } else {
      }
      %dma_wait3A = arith.constant 0 : i32
      %dma_wait3A_83 = arith.constant 0 : i32
      %dma_wait3A_84 = tpu.memref_slice %arg10[%rem3A_79, %dma_wait3A, %dma_wait3A_83] : memref<2x80x128xf32, #tpu.memory_space<vmem>> -> memref<1x80x128xf32, #tpu.memory_space<vmem>>
      %dma_wait3A_85 = tpu.memref_squeeze %dma_wait3A_84 : memref<1x80x128xf32, #tpu.memory_space<vmem>> -> memref<80x128xf32, #tpu.memory_space<vmem>>
      %dma_wait3A_86 = arith.constant 0 : i32
      %dma_wait3A_87 = tpu.memref_slice %arg8[%rem3A_79, %dma_wait3A_86] : memref<2x80xi32, #tpu.memory_space<vmem>> -> memref<1x80xi32, #tpu.memory_space<vmem>>
      %dma_wait3A_88 = tpu.memref_squeeze %dma_wait3A_87 : memref<1x80xi32, #tpu.memory_space<vmem>> -> memref<80xi32, #tpu.memory_space<vmem>>
      %dma_wait3A_89 = arith.constant 0 : i32
      %dma_wait3A_90 = arith.constant 0 : i32
      %dma_wait3A_91 = tpu.memref_slice %arg2[%dma_wait3A_89, %dma_wait3A_90] : memref<10000x128xf32, #tpu.memory_space<hbm>> -> memref<10000x128xf32, #tpu.memory_space<hbm>>
      tpu.wait_indirect_dma semaphore(%arg12 : memref<!tpu.dma_semaphore, #tpu.memory_space<semaphore_mem>>) src(%dma_wait3A_91 : memref<10000x128xf32, #tpu.memory_space<hbm>>) dst(%dma_wait3A_85 : memref<80x128xf32, #tpu.memory_space<vmem>>)
      %lt3A_92 = arith.constant 124 : i32
      %lt3A_93 = arith.cmpi slt, %scan3A_78, %lt3A_92 : i32
      %convert_element_type3A_94 = arith.extui %lt3A_93 : i1 to i32
      %cond3A_95 = arith.constant 0 : i32
      %cond3A_96 = arith.cmpi ne, %convert_element_type3A_94, %cond3A_95 : i32
      scf.if %cond3A_96 {
        %dma_start3A_102 = arith.constant 0 : i32
        %dma_start3A_103 = arith.constant 0 : i32
        %dma_start3A_104 = tpu.memref_slice %arg10[%sub3A_80, %dma_start3A_102, %dma_start3A_103] : memref<2x80x128xf32, #tpu.memory_space<vmem>> -> memref<1x80x128xf32, #tpu.memory_space<vmem>>
        %dma_start3A_105 = tpu.memref_squeeze %dma_start3A_104 : memref<1x80x128xf32, #tpu.memory_space<vmem>> -> memref<80x128xf32, #tpu.memory_space<vmem>>
        %dma_start3A_106 = arith.constant 0 : i32
        %dma_start3A_107 = tpu.memref_slice %arg8[%sub3A_80, %dma_start3A_106] : memref<2x80xi32, #tpu.memory_space<vmem>> -> memref<1x80xi32, #tpu.memory_space<vmem>>
        %dma_start3A_108 = tpu.memref_squeeze %dma_start3A_107 : memref<1x80xi32, #tpu.memory_space<vmem>> -> memref<80xi32, #tpu.memory_space<vmem>>
        %dma_start3A_109 = arith.constant 0 : i32
        %dma_start3A_110 = arith.constant 0 : i32
        %dma_start3A_111 = tpu.memref_slice %arg2[%dma_start3A_109, %dma_start3A_110] : memref<10000x128xf32, #tpu.memory_space<hbm>> -> memref<10000x128xf32, #tpu.memory_space<hbm>>
        tpu.enqueue_indirect_dma source(%dma_start3A_111 : memref<10000x128xf32, #tpu.memory_space<hbm>>) target(%dma_start3A_105 : memref<80x128xf32, #tpu.memory_space<vmem>>) offsets(%dma_start3A_108 : memref<80xi32, #tpu.memory_space<vmem>>) semaphore(%arg12 : memref<!tpu.dma_semaphore, #tpu.memory_space<semaphore_mem>>)
      } else {
      }
      "tpu.region"() ({
        %run_scoped3A_102 = tpu.sem_alloc : memref<!tpu.dma_semaphore, #tpu.memory_space<semaphore_mem>>
        %dma_start3A_103 = arith.constant 0 : i32
        %dma_start3A_104 = arith.constant 0 : i32
        %dma_start3A_105 = tpu.memref_slice %arg10[%rem3A_79, %dma_start3A_103, %dma_start3A_104] : memref<2x80x128xf32, #tpu.memory_space<vmem>> -> memref<1x80x128xf32, #tpu.memory_space<vmem>>
        %dma_start3A_106 = tpu.memref_squeeze %dma_start3A_105 : memref<1x80x128xf32, #tpu.memory_space<vmem>> -> memref<80x128xf32, #tpu.memory_space<vmem>>
        %dma_start3A_107 = arith.constant 0 : i32
        %dma_start3A_108 = tpu.memref_slice %arg9[%rem3A_79, %dma_start3A_107] : memref<2x80xi32, #tpu.memory_space<vmem>> -> memref<1x80xi32, #tpu.memory_space<vmem>>
        %dma_start3A_109 = tpu.memref_squeeze %dma_start3A_108 : memref<1x80xi32, #tpu.memory_space<vmem>> -> memref<80xi32, #tpu.memory_space<vmem>>
        %dma_start3A_110 = arith.constant 0 : i32
        %dma_start3A_111 = arith.constant 0 : i32
        %dma_start3A_112 = tpu.memref_slice %arg7[%dma_start3A_110, %dma_start3A_111] : memref<10000x128xf32, #tpu.memory_space<vmem_shared>> -> memref<10000x128xf32, #tpu.memory_space<vmem_shared>>
        tpu.enqueue_indirect_dma source(%dma_start3A_106 : memref<80x128xf32, #tpu.memory_space<vmem>>) target(%dma_start3A_112 : memref<10000x128xf32, #tpu.memory_space<vmem_shared>>) offsets(%dma_start3A_109 : memref<80xi32, #tpu.memory_space<vmem>>) semaphore(%run_scoped3A_102 : memref<!tpu.dma_semaphore, #tpu.memory_space<semaphore_mem>>) {add = true}
        %dma_wait3A_113 = arith.constant 0 : i32
        %dma_wait3A_114 = arith.constant 0 : i32
        %dma_wait3A_115 = tpu.memref_slice %arg10[%rem3A_79, %dma_wait3A_113, %dma_wait3A_114] : memref<2x80x128xf32, #tpu.memory_space<vmem>> -> memref<1x80x128xf32, #tpu.memory_space<vmem>>
        %dma_wait3A_116 = tpu.memref_squeeze %dma_wait3A_115 : memref<1x80x128xf32, #tpu.memory_space<vmem>> -> memref<80x128xf32, #tpu.memory_space<vmem>>
        %dma_wait3A_117 = arith.constant 0 : i32
        %dma_wait3A_118 = tpu.memref_slice %arg9[%rem3A_79, %dma_wait3A_117] : memref<2x80xi32, #tpu.memory_space<vmem>> -> memref<1x80xi32, #tpu.memory_space<vmem>>
        %dma_wait3A_119 = tpu.memref_squeeze %dma_wait3A_118 : memref<1x80xi32, #tpu.memory_space<vmem>> -> memref<80xi32, #tpu.memory_space<vmem>>
        %dma_wait3A_120 = arith.constant 0 : i32
        %dma_wait3A_121 = arith.constant 0 : i32
        %dma_wait3A_122 = tpu.memref_slice %arg7[%dma_wait3A_120, %dma_wait3A_121] : memref<10000x128xf32, #tpu.memory_space<vmem_shared>> -> memref<10000x128xf32, #tpu.memory_space<vmem_shared>>
        tpu.wait_indirect_dma semaphore(%run_scoped3A_102 : memref<!tpu.dma_semaphore, #tpu.memory_space<semaphore_mem>>) src(%dma_wait3A_116 : memref<80x128xf32, #tpu.memory_space<vmem>>) dst(%dma_wait3A_122 : memref<10000x128xf32, #tpu.memory_space<vmem_shared>>)
        tpu.yield
      }) : () -> ()
      "tpu.region"() ({
        %run_scoped3A_102 = tpu.sem_alloc : memref<!tpu.dma_semaphore, #tpu.memory_space<semaphore_mem>>
        %dma_start3A_103 = arith.constant 0 : i32
        %dma_start3A_104 = tpu.memref_slice %arg9[%rem3A_79, %dma_start3A_103] : memref<2x80xi32, #tpu.memory_space<vmem>> -> memref<1x80xi32, #tpu.memory_space<vmem>>
        %dma_start3A_105 = tpu.memref_squeeze %dma_start3A_104 : memref<1x80xi32, #tpu.memory_space<vmem>> -> memref<80xi32, #tpu.memory_space<vmem>>
        %dma_start3A_106 = arith.constant 0 : i32
        %dma_start3A_107 = arith.constant 0 : i32
        %dma_start3A_108 = tpu.memref_slice %arg14[%dma_start3A_106, %dma_start3A_107] : memref<10000x16xf32, #tpu.memory_space<vmem_shared>> -> memref<10000x16xf32, #tpu.memory_space<vmem_shared>>
        tpu.enqueue_indirect_dma source(%arg15 : memref<80x16xf32, #tpu.memory_space<vmem>>) target(%dma_start3A_108 : memref<10000x16xf32, #tpu.memory_space<vmem_shared>>) offsets(%dma_start3A_105 : memref<80xi32, #tpu.memory_space<vmem>>) semaphore(%run_scoped3A_102 : memref<!tpu.dma_semaphore, #tpu.memory_space<semaphore_mem>>) {add = true}
        %dma_wait3A_109 = arith.constant 0 : i32
        %dma_wait3A_110 = tpu.memref_slice %arg9[%rem3A_79, %dma_wait3A_109] : memref<2x80xi32, #tpu.memory_space<vmem>> -> memref<1x80xi32, #tpu.memory_space<vmem>>
        %dma_wait3A_111 = tpu.memref_squeeze %dma_wait3A_110 : memref<1x80xi32, #tpu.memory_space<vmem>> -> memref<80xi32, #tpu.memory_space<vmem>>
        %dma_wait3A_112 = arith.constant 0 : i32
        %dma_wait3A_113 = arith.constant 0 : i32
        %dma_wait3A_114 = tpu.memref_slice %arg14[%dma_wait3A_112, %dma_wait3A_113] : memref<10000x16xf32, #tpu.memory_space<vmem_shared>> -> memref<10000x16xf32, #tpu.memory_space<vmem_shared>>
        tpu.wait_indirect_dma semaphore(%run_scoped3A_102 : memref<!tpu.dma_semaphore, #tpu.memory_space<semaphore_mem>>) src(%arg15 : memref<80x16xf32, #tpu.memory_space<vmem>>) dst(%dma_wait3A_114 : memref<10000x16xf32, #tpu.memory_space<vmem_shared>>)
        tpu.yield
      }) : () -> ()
      %lt3A_97 = arith.constant 123 : i32
      %lt3A_98 = arith.cmpi slt, %scan3A_78, %lt3A_97 : i32
      %convert_element_type3A_99 = arith.extui %lt3A_98 : i1 to i32
      %cond3A_100 = arith.constant 0 : i32
      %cond3A_101 = arith.cmpi ne, %convert_element_type3A_99, %cond3A_100 : i32
      scf.if %cond3A_101 {
        %add3A_102 = arith.constant 2 : i32
        %add3A_103 = arith.addi %scan3A_78, %add3A_102 : i32
        %mul3A_104 = arith.constant 80 : i32
        %mul3A_105 = arith.muli %add3A_103, %mul3A_104 : i32
        %add3A_106 = arith.addi %add3A, %mul3A_105 : i32
        %dma_start3A_107 = arith.constant 0 : i32
        %dma_start3A_108 = tpu.memref_slice %arg8[%rem3A_79, %dma_start3A_107] : memref<2x80xi32, #tpu.memory_space<vmem>> -> memref<1x80xi32, #tpu.memory_space<vmem>>
        %dma_start3A_109 = tpu.memref_squeeze %dma_start3A_108 : memref<1x80xi32, #tpu.memory_space<vmem>> -> memref<80xi32, #tpu.memory_space<vmem>>
        %dma_start3A_110 = tpu.memref_slice %arg3[%add3A_106] : memref<320000xi32, #tpu.memory_space<hbm>> -> memref<80xi32, #tpu.memory_space<hbm>>
        %dma_start3A_111 = arith.constant 0 : i32
        %dma_start3A_112 = tpu.memref_slice %arg8[%rem3A_79, %dma_start3A_111] : memref<2x80xi32, #tpu.memory_space<vmem>> -> memref<1x80xi32, #tpu.memory_space<vmem>>
        %dma_start3A_113 = tpu.memref_squeeze %dma_start3A_112 : memref<1x80xi32, #tpu.memory_space<vmem>> -> memref<80xi32, #tpu.memory_space<vmem>>
        %dma_start3A_114 = tpu.memref_slice %arg3[%add3A_106] : memref<320000xi32, #tpu.memory_space<hbm>> -> memref<80xi32, #tpu.memory_space<hbm>>
        tpu.enqueue_dma source(%dma_start3A_114 : memref<80xi32, #tpu.memory_space<hbm>>) target(%dma_start3A_113 : memref<80xi32, #tpu.memory_space<vmem>>) target_semaphore(%arg13 : memref<!tpu.dma_semaphore, #tpu.memory_space<semaphore_mem>>)
        %dma_start3A_115 = arith.constant 0 : i32
        %dma_start3A_116 = tpu.memref_slice %arg9[%rem3A_79, %dma_start3A_115] : memref<2x80xi32, #tpu.memory_space<vmem>> -> memref<1x80xi32, #tpu.memory_space<vmem>>
        %dma_start3A_117 = tpu.memref_squeeze %dma_start3A_116 : memref<1x80xi32, #tpu.memory_space<vmem>> -> memref<80xi32, #tpu.memory_space<vmem>>
        %dma_start3A_118 = tpu.memref_slice %arg4[%add3A_106] : memref<320000xi32, #tpu.memory_space<hbm>> -> memref<80xi32, #tpu.memory_space<hbm>>
        %dma_start3A_119 = arith.constant 0 : i32
        %dma_start3A_120 = tpu.memref_slice %arg9[%rem3A_79, %dma_start3A_119] : memref<2x80xi32, #tpu.memory_space<vmem>> -> memref<1x80xi32, #tpu.memory_space<vmem>>
        %dma_start3A_121 = tpu.memref_squeeze %dma_start3A_120 : memref<1x80xi32, #tpu.memory_space<vmem>> -> memref<80xi32, #tpu.memory_space<vmem>>
        %dma_start3A_122 = tpu.memref_slice %arg4[%add3A_106] : memref<320000xi32, #tpu.memory_space<hbm>> -> memref<80xi32, #tpu.memory_space<hbm>>
        tpu.enqueue_dma source(%dma_start3A_122 : memref<80xi32, #tpu.memory_space<hbm>>) target(%dma_start3A_121 : memref<80xi32, #tpu.memory_space<vmem>>) target_semaphore(%arg13 : memref<!tpu.dma_semaphore, #tpu.memory_space<semaphore_mem>>)
      } else {
      }
    }
    %scan3A_70 = arith.constant 125 : i32
    %barrier3A_71 = arith.constant 0 : index
    tpu.barrier barrier_id(%barrier3A_71)
    %scan3A_72 = arith.constant 0 : i32
    %scan3A_73 = arith.constant 0 : i32
    %scan3A_74 = arith.constant 8 : i32
    %scan3A_75 = arith.addi %scan3A_73, %scan3A_74 : i32
    %scan3A_76 = arith.constant 1 : i32
    scf.for %scan3A_78 = %scan3A_73 to %scan3A_75 step %scan3A_76  : i32 {
      %mul3A_79 = arith.constant 16 : i32
      %mul3A_80 = arith.muli %scan3A_78, %mul3A_79 : i32
      %add3A_81 = arith.addi %arg1, %mul3A_80 : i32
      %lt3A = arith.constant 125 : i32
      %lt3A_82 = arith.cmpi slt, %add3A_81, %lt3A : i32
      %convert_element_type3A = arith.extui %lt3A_82 : i1 to i32
      %cond3A = arith.constant 0 : i32
      %cond3A_83 = arith.cmpi ne, %convert_element_type3A, %cond3A : i32
      scf.if %cond3A_83 {
        %mul3A_84 = arith.constant 80 : i32
        %mul3A_85 = arith.muli %add3A_81, %mul3A_84 : i32
        %mul3A_86 = arith.constant 80 : i32
        %mul3A_87 = arith.muli %add3A_81, %mul3A_86 : i32
        "tpu.region"() ({
          %run_scoped3A_92 = tpu.sem_alloc : memref<!tpu.dma_semaphore, #tpu.memory_space<semaphore_mem>>
          %dma_start3A_93 = arith.constant 0 : i32
          %dma_start3A_94 = tpu.memref_slice %arg5[%arg0, %mul3A_87, %dma_start3A_93] : memref<2x10000x128xf32, #tpu.memory_space<hbm>> -> memref<1x80x128xf32, #tpu.memory_space<hbm>>
          %dma_start3A_95 = tpu.memref_squeeze %dma_start3A_94 : memref<1x80x128xf32, #tpu.memory_space<hbm>> -> memref<80x128xf32, #tpu.memory_space<hbm>>
          %dma_start3A_96 = arith.constant 0 : i32
          %dma_start3A_97 = tpu.memref_slice %arg7[%mul3A_85, %dma_start3A_96] : memref<10000x128xf32, #tpu.memory_space<vmem_shared>> -> memref<80x128xf32, #tpu.memory_space<vmem_shared>>
          tpu.enqueue_dma source(%dma_start3A_97 : memref<80x128xf32, #tpu.memory_space<vmem_shared>>) target(%dma_start3A_95 : memref<80x128xf32, #tpu.memory_space<hbm>>) target_semaphore(%run_scoped3A_92 : memref<!tpu.dma_semaphore, #tpu.memory_space<semaphore_mem>>)
          %dma_wait3A = arith.constant 0 : i32
          %dma_wait3A_98 = tpu.memref_slice %arg5[%arg0, %mul3A_87, %dma_wait3A] : memref<2x10000x128xf32, #tpu.memory_space<hbm>> -> memref<1x80x128xf32, #tpu.memory_space<hbm>>
          %dma_wait3A_99 = tpu.memref_squeeze %dma_wait3A_98 : memref<1x80x128xf32, #tpu.memory_space<hbm>> -> memref<80x128xf32, #tpu.memory_space<hbm>>
          %dma_wait3A_100 = arith.constant 0 : i32
          %dma_wait3A_101 = tpu.memref_slice %arg7[%mul3A_85, %dma_wait3A_100] : memref<10000x128xf32, #tpu.memory_space<vmem_shared>> -> memref<80x128xf32, #tpu.memory_space<vmem_shared>>
          tpu.wait_dma2 semaphore(%run_scoped3A_92 : memref<!tpu.dma_semaphore, #tpu.memory_space<semaphore_mem>>) src(%dma_wait3A_101 : memref<80x128xf32, #tpu.memory_space<vmem_shared>>) dst(%dma_wait3A_99 : memref<80x128xf32, #tpu.memory_space<hbm>>)
          tpu.yield
        }) : () -> ()
        %mul3A_88 = arith.constant 80 : i32
        %mul3A_89 = arith.muli %add3A_81, %mul3A_88 : i32
        %mul3A_90 = arith.constant 80 : i32
        %mul3A_91 = arith.muli %add3A_81, %mul3A_90 : i32
        "tpu.region"() ({
          %run_scoped3A_92 = tpu.sem_alloc : memref<!tpu.dma_semaphore, #tpu.memory_space<semaphore_mem>>
          %dma_start3A_93 = arith.constant 0 : i32
          %dma_start3A_94 = tpu.memref_slice %arg6[%arg0, %mul3A_91, %dma_start3A_93] : memref<2x10000x16xf32, #tpu.memory_space<hbm>> -> memref<1x80x16xf32, #tpu.memory_space<hbm>>
          %dma_start3A_95 = tpu.memref_squeeze %dma_start3A_94 : memref<1x80x16xf32, #tpu.memory_space<hbm>> -> memref<80x16xf32, #tpu.memory_space<hbm>>
          %dma_start3A_96 = arith.constant 0 : i32
          %dma_start3A_97 = tpu.memref_slice %arg14[%mul3A_89, %dma_start3A_96] : memref<10000x16xf32, #tpu.memory_space<vmem_shared>> -> memref<80x16xf32, #tpu.memory_space<vmem_shared>>
          tpu.enqueue_dma source(%dma_start3A_97 : memref<80x16xf32, #tpu.memory_space<vmem_shared>>) target(%dma_start3A_95 : memref<80x16xf32, #tpu.memory_space<hbm>>) target_semaphore(%run_scoped3A_92 : memref<!tpu.dma_semaphore, #tpu.memory_space<semaphore_mem>>)
          %dma_wait3A = arith.constant 0 : i32
          %dma_wait3A_98 = tpu.memref_slice %arg6[%arg0, %mul3A_91, %dma_wait3A] : memref<2x10000x16xf32, #tpu.memory_space<hbm>> -> memref<1x80x16xf32, #tpu.memory_space<hbm>>
          %dma_wait3A_99 = tpu.memref_squeeze %dma_wait3A_98 : memref<1x80x16xf32, #tpu.memory_space<hbm>> -> memref<80x16xf32, #tpu.memory_space<hbm>>
          %dma_wait3A_100 = arith.constant 0 : i32
          %dma_wait3A_101 = tpu.memref_slice %arg14[%mul3A_89, %dma_wait3A_100] : memref<10000x16xf32, #tpu.memory_space<vmem_shared>> -> memref<80x16xf32, #tpu.memory_space<vmem_shared>>
          tpu.wait_dma2 semaphore(%run_scoped3A_92 : memref<!tpu.dma_semaphore, #tpu.memory_space<semaphore_mem>>) src(%dma_wait3A_101 : memref<80x16xf32, #tpu.memory_space<vmem_shared>>) dst(%dma_wait3A_99 : memref<80x16xf32, #tpu.memory_space<hbm>>)
          tpu.yield
        }) : () -> ()
      } else {
      }
    }
    %scan3A_77 = arith.constant 8 : i32
    return
  }
}

module attributes {stable_mosaic.version = 14 : i64} {
  func.func @_tc1_body(%arg0: i32, %arg1: memref<1000x128xf32, #tpu.memory_space<vmem>>, %arg2: memref<2x1000x128xf32, #tpu.memory_space<vmem>>, %arg3: memref<2x1000x16xf32, #tpu.memory_space<vmem>>, %arg4: memref<128x128xf32, #tpu.memory_space<vmem>>, %arg5: memref<128x128xf32, #tpu.memory_space<vmem>>, %arg6: memref<1x128xf32, #tpu.memory_space<vmem>>, %arg7: memref<1000x128xf32, #tpu.memory_space<vmem>>) attributes {dimension_semantics = [#tpu.dimension_semantics<arbitrary>], iteration_bounds = array<i64: 10>, scalar_prefetch = 0 : i64, scratch_operands = 0 : i64, tpu.core_type = #tpu.core_type<tc>, window_params = [{transform_indices = @transform_0, window_bounds = array<i64: 1000, 128>}, {transform_indices = @transform_1, window_bounds = array<i64: 2, 1000, 128>}, {transform_indices = @transform_2, window_bounds = array<i64: 2, 1000, 16>}, {pipeline_mode = #tpu.pipeline_mode<synchronous>, transform_indices = @transform_3, window_bounds = array<i64: 128, 128>}, {pipeline_mode = #tpu.pipeline_mode<synchronous>, transform_indices = @transform_4, window_bounds = array<i64: 128, 128>}, {pipeline_mode = #tpu.pipeline_mode<synchronous>, transform_indices = @transform_5, window_bounds = array<i64: 1, 128>}, {transform_indices = @transform_6, window_bounds = array<i64: 1000, 128>}]} {
    %get3A = arith.constant 0 : index
    %get3A_0 = arith.constant 0 : index
    %get3A_1 = vector.load %arg1[%get3A, %get3A_0] : memref<1000x128xf32, #tpu.memory_space<vmem>>, vector<1000x128xf32>
    %get3A_2 = arith.constant 0 : index
    %get3A_3 = arith.constant 0 : index
    %get3A_4 = arith.constant 0 : index
    %get3A_5 = vector.load %arg2[%get3A_2, %get3A_3, %get3A_4] : memref<2x1000x128xf32, #tpu.memory_space<vmem>>, vector<1x1000x128xf32>
    %get3A_6 = vector.shape_cast %get3A_5 : vector<1x1000x128xf32> to vector<1000x128xf32>
    %get3A_7 = arith.constant 1 : index
    %get3A_8 = arith.constant 0 : index
    %get3A_9 = arith.constant 0 : index
    %get3A_10 = vector.load %arg2[%get3A_7, %get3A_8, %get3A_9] : memref<2x1000x128xf32, #tpu.memory_space<vmem>>, vector<1x1000x128xf32>
    %get3A_11 = vector.shape_cast %get3A_10 : vector<1x1000x128xf32> to vector<1000x128xf32>
    %add3A = arith.addf %get3A_6, %get3A_11 : vector<1000x128xf32>
    %add3A_12 = arith.addf %add3A, %get3A_1 : vector<1000x128xf32>
    %get3A_13 = arith.constant 0 : index
    %get3A_14 = arith.constant 0 : index
    %get3A_15 = arith.constant 0 : index
    %get3A_16 = vector.load %arg3[%get3A_13, %get3A_14, %get3A_15] : memref<2x1000x16xf32, #tpu.memory_space<vmem>>, vector<1x1000x16xf32>
    %get3A_17 = vector.shape_cast %get3A_16 : vector<1x1000x16xf32> to vector<1000x16xf32>
    %reduce_sum3A = arith.constant dense<0.000000e+00> : vector<1000xf32>
    %reduce_sum3A_18 = vector.multi_reduction <add>, %get3A_17, %reduce_sum3A [1] : vector<1000x16xf32> to vector<1000xf32>
    %broadcast_in_dim3A = vector.shape_cast %reduce_sum3A_18 : vector<1000xf32> to vector<1000x1xf32>
    %get3A_19 = arith.constant 1 : index
    %get3A_20 = arith.constant 0 : index
    %get3A_21 = arith.constant 0 : index
    %get3A_22 = vector.load %arg3[%get3A_19, %get3A_20, %get3A_21] : memref<2x1000x16xf32, #tpu.memory_space<vmem>>, vector<1x1000x16xf32>
    %get3A_23 = vector.shape_cast %get3A_22 : vector<1x1000x16xf32> to vector<1000x16xf32>
    %reduce_sum3A_24 = arith.constant dense<0.000000e+00> : vector<1000xf32>
    %reduce_sum3A_25 = vector.multi_reduction <add>, %get3A_23, %reduce_sum3A_24 [1] : vector<1000x16xf32> to vector<1000xf32>
    %broadcast_in_dim3A_26 = vector.shape_cast %reduce_sum3A_25 : vector<1000xf32> to vector<1000x1xf32>
    %add3A_27 = arith.addf %broadcast_in_dim3A, %broadcast_in_dim3A_26 : vector<1000x1xf32>
    %mul3A = arith.constant 6.250000e-02 : f32
    %mul3A_28 = vector.broadcast %mul3A : f32 to vector<1000x1xf32>
    %mul3A_29 = arith.mulf %add3A_27, %mul3A_28 : vector<1000x1xf32>
    %add3A_30 = arith.constant 1.000000e+00 : f32
    %add3A_31 = vector.broadcast %add3A_30 : f32 to vector<1000x1xf32>
    %add3A_32 = arith.addf %mul3A_29, %add3A_31 : vector<1000x1xf32>
    %div3A = vector.broadcast %add3A_32 : vector<1000x1xf32> to vector<1000x128xf32>
    %div3A_33 = arith.divf %add3A_12, %div3A : vector<1000x128xf32>
    %get3A_34 = arith.constant 0 : index
    %get3A_35 = arith.constant 0 : index
    %get3A_36 = vector.load %arg4[%get3A_34, %get3A_35] : memref<128x128xf32, #tpu.memory_space<vmem>>, vector<128x128xf32>
    %dot_general3A = arith.constant dense<0.000000e+00> : vector<1000x128xf32>
    %dot_general3A_37 = tpu.matmul %get3A_1, %get3A_36, %dot_general3A {dimension_numbers = #tpu.dot_dimension_numbers<[1], [0], [0], [1], [0, 0, 1, 1], [], []>, transpose_lhs_hint = false} : vector<1000x128xf32>, vector<128x128xf32>, vector<1000x128xf32> -> vector<1000x128xf32>
    %get3A_38 = arith.constant 0 : index
    %get3A_39 = arith.constant 0 : index
    %get3A_40 = vector.load %arg5[%get3A_38, %get3A_39] : memref<128x128xf32, #tpu.memory_space<vmem>>, vector<128x128xf32>
    %dot_general3A_41 = arith.constant dense<0.000000e+00> : vector<1000x128xf32>
    %dot_general3A_42 = tpu.matmul %div3A_33, %get3A_40, %dot_general3A_41 {dimension_numbers = #tpu.dot_dimension_numbers<[1], [0], [0], [1], [0, 0, 1, 1], [], []>, transpose_lhs_hint = false} : vector<1000x128xf32>, vector<128x128xf32>, vector<1000x128xf32> -> vector<1000x128xf32>
    %add3A_43 = arith.addf %dot_general3A_37, %dot_general3A_42 : vector<1000x128xf32>
    %get3A_44 = arith.constant 0 : index
    %get3A_45 = arith.constant 0 : index
    %get3A_46 = vector.load %arg6[%get3A_44, %get3A_45] : memref<1x128xf32, #tpu.memory_space<vmem>>, vector<1x128xf32>
    %add3A_47 = vector.broadcast %get3A_46 : vector<1x128xf32> to vector<1000x128xf32>
    %add3A_48 = arith.addf %add3A_43, %add3A_47 : vector<1000x128xf32>
    %ge3A = arith.constant 0.000000e+00 : f32
    %ge3A_49 = vector.broadcast %ge3A : f32 to vector<1000x128xf32>
    %ge3A_50 = arith.cmpf oge, %add3A_48, %ge3A_49 : vector<1000x128xf32>
    %mul3A_51 = arith.constant 0.00999999977 : f32
    %mul3A_52 = vector.broadcast %mul3A_51 : f32 to vector<1000x128xf32>
    %mul3A_53 = arith.mulf %mul3A_52, %add3A_48 : vector<1000x128xf32>
    %select_n3A = arith.select %ge3A_50, %add3A_48, %mul3A_53 : vector<1000x128xi1>, vector<1000x128xf32>
    %swap3A = arith.constant 0 : index
    %swap3A_54 = arith.constant 0 : index
    %swap3A_55 = vector.load %arg7[%swap3A, %swap3A_54] : memref<1000x128xf32, #tpu.memory_space<vmem>>, vector<1000x128xf32>
    tpu.vector_store %arg7[%swap3A, %swap3A_54], %select_n3A {strides = array<i32>} : memref<1000x128xf32, #tpu.memory_space<vmem>>, vector<1000x128xf32>,
    return
  }
  func.func @transform_0(%arg0: i32) -> (i32, i32) {
    %c0_i32 = arith.constant 0 : i32
    %c0_i32_0 = arith.constant 0 : i32
    return %arg0, %c0_i32 : i32, i32
  }
  func.func @transform_1(%arg0: i32) -> (i32, i32, i32) {
    %c0_i32 = arith.constant 0 : i32
    %c0_i32_0 = arith.constant 0 : i32
    %c0_i32_1 = arith.constant 0 : i32
    return %c0_i32, %arg0, %c0_i32_0 : i32, i32, i32
  }
  func.func @transform_2(%arg0: i32) -> (i32, i32, i32) {
    %c0_i32 = arith.constant 0 : i32
    %c0_i32_0 = arith.constant 0 : i32
    %c0_i32_1 = arith.constant 0 : i32
    return %c0_i32, %arg0, %c0_i32_0 : i32, i32, i32
  }
  func.func @transform_3(%arg0: i32) -> (i32, i32) {
    %c0_i32 = arith.constant 0 : i32
    %c0_i32_0 = arith.constant 0 : i32
    %c0_i32_1 = arith.constant 0 : i32
    return %c0_i32, %c0_i32_0 : i32, i32
  }
  func.func @transform_4(%arg0: i32) -> (i32, i32) {
    %c0_i32 = arith.constant 0 : i32
    %c0_i32_0 = arith.constant 0 : i32
    %c0_i32_1 = arith.constant 0 : i32
    return %c0_i32, %c0_i32_0 : i32, i32
  }
  func.func @transform_5(%arg0: i32) -> (i32, i32) {
    %c0_i32 = arith.constant 0 : i32
    %c0_i32_0 = arith.constant 0 : i32
    %c0_i32_1 = arith.constant 0 : i32
    return %c0_i32, %c0_i32_0 : i32, i32
  }
  func.func @transform_6(%arg0: i32) -> (i32, i32) {
    %c0_i32 = arith.constant 0 : i32
    %c0_i32_0 = arith.constant 0 : i32
    return %arg0, %c0_i32 : i32, i32
  }
}

module attributes {stable_mosaic.version = 14 : i64} {
  func.func @_tc2_body(%arg0: i32, %arg1: memref<1000x128xf32, #tpu.memory_space<vmem>>, %arg2: memref<2x1000x128xf32, #tpu.memory_space<vmem>>, %arg3: memref<2x1000x16xf32, #tpu.memory_space<vmem>>, %arg4: memref<128x128xf32, #tpu.memory_space<vmem>>, %arg5: memref<128x128xf32, #tpu.memory_space<vmem>>, %arg6: memref<1x128xf32, #tpu.memory_space<vmem>>, %arg7: memref<128x64xf32, #tpu.memory_space<vmem>>, %arg8: memref<1x64xf32, #tpu.memory_space<vmem>>, %arg9: memref<1000x64xf32, #tpu.memory_space<vmem>>) attributes {dimension_semantics = [#tpu.dimension_semantics<arbitrary>], iteration_bounds = array<i64: 10>, scalar_prefetch = 0 : i64, scratch_operands = 0 : i64, tpu.core_type = #tpu.core_type<tc>, window_params = [{transform_indices = @transform_0, window_bounds = array<i64: 1000, 128>}, {transform_indices = @transform_1, window_bounds = array<i64: 2, 1000, 128>}, {transform_indices = @transform_2, window_bounds = array<i64: 2, 1000, 16>}, {pipeline_mode = #tpu.pipeline_mode<synchronous>, transform_indices = @transform_3, window_bounds = array<i64: 128, 128>}, {pipeline_mode = #tpu.pipeline_mode<synchronous>, transform_indices = @transform_4, window_bounds = array<i64: 128, 128>}, {pipeline_mode = #tpu.pipeline_mode<synchronous>, transform_indices = @transform_5, window_bounds = array<i64: 1, 128>}, {pipeline_mode = #tpu.pipeline_mode<synchronous>, transform_indices = @transform_6, window_bounds = array<i64: 128, 64>}, {pipeline_mode = #tpu.pipeline_mode<synchronous>, transform_indices = @transform_7, window_bounds = array<i64: 1, 64>}, {transform_indices = @transform_8, window_bounds = array<i64: 1000, 64>}]} {
    %get3A = arith.constant 0 : index
    %get3A_0 = arith.constant 0 : index
    %get3A_1 = vector.load %arg1[%get3A, %get3A_0] : memref<1000x128xf32, #tpu.memory_space<vmem>>, vector<1000x128xf32>
    %get3A_2 = arith.constant 0 : index
    %get3A_3 = arith.constant 0 : index
    %get3A_4 = arith.constant 0 : index
    %get3A_5 = vector.load %arg2[%get3A_2, %get3A_3, %get3A_4] : memref<2x1000x128xf32, #tpu.memory_space<vmem>>, vector<1x1000x128xf32>
    %get3A_6 = vector.shape_cast %get3A_5 : vector<1x1000x128xf32> to vector<1000x128xf32>
    %get3A_7 = arith.constant 1 : index
    %get3A_8 = arith.constant 0 : index
    %get3A_9 = arith.constant 0 : index
    %get3A_10 = vector.load %arg2[%get3A_7, %get3A_8, %get3A_9] : memref<2x1000x128xf32, #tpu.memory_space<vmem>>, vector<1x1000x128xf32>
    %get3A_11 = vector.shape_cast %get3A_10 : vector<1x1000x128xf32> to vector<1000x128xf32>
    %add3A = arith.addf %get3A_6, %get3A_11 : vector<1000x128xf32>
    %add3A_12 = arith.addf %add3A, %get3A_1 : vector<1000x128xf32>
    %get3A_13 = arith.constant 0 : index
    %get3A_14 = arith.constant 0 : index
    %get3A_15 = arith.constant 0 : index
    %get3A_16 = vector.load %arg3[%get3A_13, %get3A_14, %get3A_15] : memref<2x1000x16xf32, #tpu.memory_space<vmem>>, vector<1x1000x16xf32>
    %get3A_17 = vector.shape_cast %get3A_16 : vector<1x1000x16xf32> to vector<1000x16xf32>
    %reduce_sum3A = arith.constant dense<0.000000e+00> : vector<1000xf32>
    %reduce_sum3A_18 = vector.multi_reduction <add>, %get3A_17, %reduce_sum3A [1] : vector<1000x16xf32> to vector<1000xf32>
    %broadcast_in_dim3A = vector.shape_cast %reduce_sum3A_18 : vector<1000xf32> to vector<1000x1xf32>
    %get3A_19 = arith.constant 1 : index
    %get3A_20 = arith.constant 0 : index
    %get3A_21 = arith.constant 0 : index
    %get3A_22 = vector.load %arg3[%get3A_19, %get3A_20, %get3A_21] : memref<2x1000x16xf32, #tpu.memory_space<vmem>>, vector<1x1000x16xf32>
    %get3A_23 = vector.shape_cast %get3A_22 : vector<1x1000x16xf32> to vector<1000x16xf32>
    %reduce_sum3A_24 = arith.constant dense<0.000000e+00> : vector<1000xf32>
    %reduce_sum3A_25 = vector.multi_reduction <add>, %get3A_23, %reduce_sum3A_24 [1] : vector<1000x16xf32> to vector<1000xf32>
    %broadcast_in_dim3A_26 = vector.shape_cast %reduce_sum3A_25 : vector<1000xf32> to vector<1000x1xf32>
    %add3A_27 = arith.addf %broadcast_in_dim3A, %broadcast_in_dim3A_26 : vector<1000x1xf32>
    %mul3A = arith.constant 6.250000e-02 : f32
    %mul3A_28 = vector.broadcast %mul3A : f32 to vector<1000x1xf32>
    %mul3A_29 = arith.mulf %add3A_27, %mul3A_28 : vector<1000x1xf32>
    %add3A_30 = arith.constant 1.000000e+00 : f32
    %add3A_31 = vector.broadcast %add3A_30 : f32 to vector<1000x1xf32>
    %add3A_32 = arith.addf %mul3A_29, %add3A_31 : vector<1000x1xf32>
    %div3A = vector.broadcast %add3A_32 : vector<1000x1xf32> to vector<1000x128xf32>
    %div3A_33 = arith.divf %add3A_12, %div3A : vector<1000x128xf32>
    %get3A_34 = arith.constant 0 : index
    %get3A_35 = arith.constant 0 : index
    %get3A_36 = vector.load %arg4[%get3A_34, %get3A_35] : memref<128x128xf32, #tpu.memory_space<vmem>>, vector<128x128xf32>
    %dot_general3A = arith.constant dense<0.000000e+00> : vector<1000x128xf32>
    %dot_general3A_37 = tpu.matmul %get3A_1, %get3A_36, %dot_general3A {dimension_numbers = #tpu.dot_dimension_numbers<[1], [0], [0], [1], [0, 0, 1, 1], [], []>, transpose_lhs_hint = false} : vector<1000x128xf32>, vector<128x128xf32>, vector<1000x128xf32> -> vector<1000x128xf32>
    %get3A_38 = arith.constant 0 : index
    %get3A_39 = arith.constant 0 : index
    %get3A_40 = vector.load %arg5[%get3A_38, %get3A_39] : memref<128x128xf32, #tpu.memory_space<vmem>>, vector<128x128xf32>
    %dot_general3A_41 = arith.constant dense<0.000000e+00> : vector<1000x128xf32>
    %dot_general3A_42 = tpu.matmul %div3A_33, %get3A_40, %dot_general3A_41 {dimension_numbers = #tpu.dot_dimension_numbers<[1], [0], [0], [1], [0, 0, 1, 1], [], []>, transpose_lhs_hint = false} : vector<1000x128xf32>, vector<128x128xf32>, vector<1000x128xf32> -> vector<1000x128xf32>
    %add3A_43 = arith.addf %dot_general3A_37, %dot_general3A_42 : vector<1000x128xf32>
    %get3A_44 = arith.constant 0 : index
    %get3A_45 = arith.constant 0 : index
    %get3A_46 = vector.load %arg6[%get3A_44, %get3A_45] : memref<1x128xf32, #tpu.memory_space<vmem>>, vector<1x128xf32>
    %add3A_47 = vector.broadcast %get3A_46 : vector<1x128xf32> to vector<1000x128xf32>
    %add3A_48 = arith.addf %add3A_43, %add3A_47 : vector<1000x128xf32>
    %get3A_49 = arith.constant 0 : index
    %get3A_50 = arith.constant 0 : index
    %get3A_51 = vector.load %arg7[%get3A_49, %get3A_50] : memref<128x64xf32, #tpu.memory_space<vmem>>, vector<128x64xf32>
    %dot_general3A_52 = arith.constant dense<0.000000e+00> : vector<1000x64xf32>
    %dot_general3A_53 = tpu.matmul %add3A_48, %get3A_51, %dot_general3A_52 {dimension_numbers = #tpu.dot_dimension_numbers<[1], [0], [0], [1], [0, 0, 1, 1], [], []>, transpose_lhs_hint = false} : vector<1000x128xf32>, vector<128x64xf32>, vector<1000x64xf32> -> vector<1000x64xf32>
    %get3A_54 = arith.constant 0 : index
    %get3A_55 = arith.constant 0 : index
    %get3A_56 = vector.load %arg8[%get3A_54, %get3A_55] : memref<1x64xf32, #tpu.memory_space<vmem>>, vector<1x64xf32>
    %add3A_57 = vector.broadcast %get3A_56 : vector<1x64xf32> to vector<1000x64xf32>
    %add3A_58 = arith.addf %dot_general3A_53, %add3A_57 : vector<1000x64xf32>
    %swap3A = arith.constant 0 : index
    %swap3A_59 = arith.constant 0 : index
    %swap3A_60 = vector.load %arg9[%swap3A, %swap3A_59] : memref<1000x64xf32, #tpu.memory_space<vmem>>, vector<1000x64xf32>
    tpu.vector_store %arg9[%swap3A, %swap3A_59], %add3A_58 {strides = array<i32>} : memref<1000x64xf32, #tpu.memory_space<vmem>>, vector<1000x64xf32>,
    return
  }
  func.func @transform_0(%arg0: i32) -> (i32, i32) {
    %c0_i32 = arith.constant 0 : i32
    %c0_i32_0 = arith.constant 0 : i32
    return %arg0, %c0_i32 : i32, i32
  }
  func.func @transform_1(%arg0: i32) -> (i32, i32, i32) {
    %c0_i32 = arith.constant 0 : i32
    %c0_i32_0 = arith.constant 0 : i32
    %c0_i32_1 = arith.constant 0 : i32
    return %c0_i32, %arg0, %c0_i32_0 : i32, i32, i32
  }
  func.func @transform_2(%arg0: i32) -> (i32, i32, i32) {
    %c0_i32 = arith.constant 0 : i32
    %c0_i32_0 = arith.constant 0 : i32
    %c0_i32_1 = arith.constant 0 : i32
    return %c0_i32, %arg0, %c0_i32_0 : i32, i32, i32
  }
  func.func @transform_3(%arg0: i32) -> (i32, i32) {
    %c0_i32 = arith.constant 0 : i32
    %c0_i32_0 = arith.constant 0 : i32
    %c0_i32_1 = arith.constant 0 : i32
    return %c0_i32, %c0_i32_0 : i32, i32
  }
  func.func @transform_4(%arg0: i32) -> (i32, i32) {
    %c0_i32 = arith.constant 0 : i32
    %c0_i32_0 = arith.constant 0 : i32
    %c0_i32_1 = arith.constant 0 : i32
    return %c0_i32, %c0_i32_0 : i32, i32
  }
  func.func @transform_5(%arg0: i32) -> (i32, i32) {
    %c0_i32 = arith.constant 0 : i32
    %c0_i32_0 = arith.constant 0 : i32
    %c0_i32_1 = arith.constant 0 : i32
    return %c0_i32, %c0_i32_0 : i32, i32
  }
  func.func @transform_6(%arg0: i32) -> (i32, i32) {
    %c0_i32 = arith.constant 0 : i32
    %c0_i32_0 = arith.constant 0 : i32
    %c0_i32_1 = arith.constant 0 : i32
    return %c0_i32, %c0_i32_0 : i32, i32
  }
  func.func @transform_7(%arg0: i32) -> (i32, i32) {
    %c0_i32 = arith.constant 0 : i32
    %c0_i32_0 = arith.constant 0 : i32
    %c0_i32_1 = arith.constant 0 : i32
    return %c0_i32, %c0_i32_0 : i32, i32
  }
  func.func @transform_8(%arg0: i32) -> (i32, i32) {
    %c0_i32 = arith.constant 0 : i32
    %c0_i32_0 = arith.constant 0 : i32
    return %arg0, %c0_i32 : i32, i32
  }
}

</mosaic_0001>

<sc_bundles>
// kernel: sc_segment_sum.3.cloned.1.call-start
scs
__scs_entry_jumppad:
0x0: {  	(pc) =	sbr.rel $0x88, $3  }
0x1: {  	(tag) =	ssettag $0x0;
	lr =	simm.s32 $0x1  }
0x2: {  	[smem:$0x3F97] =	sst lr;
	_ =	strace $0xD0000000  }
0x3: {  	_ = 	snop  }
0x4: {  	_ = 	snop  }
0x5: {  	_ = 	snop  }
0x6: {  	_ = 	snop  }
0x7: {  	_ = 	snop  }
__scs_overlays_trampoline_lowered:
0x8: {  	[smem:$0x3FA6] =	sst s0  }
0x9: {  	[smem:$0x3FA7] =	sst s1  }
0xa: {  	[smem:$0x3FA8] =	sst s2  }
0xb: {  	[smem:$0x3FA9] =	sst s3  }
0xc: {  	[smem:$0x3FAA] =	sst s4  }
0xd: {  	[smem:$0x3FAB] =	sst s5  }
0xe: {  	[smem:$0x3FAC] =	sst s6  }
0xf: {  	[smem:$0x3FAD] =	sst s7  }
0x10: {  	[smem:$0x3FAE] =	sst s8  }
0x11: {  	[smem:$0x3FAF] =	sst s9;
	s0 =	simm.s32 @!p0 $0x0  }
0x12: {  	s1 =	sld [smem:$0x3F95];
	s0 =	simm.s32 @p0 $0x1  }
0x13: {  	[smem:$0x3FB0] =	sst s0;
	s0 =	simm.s32 @!p1 $0x0  }
0x14: {  	s2 =	sld [smem:$0x3F94];
	s0 =	simm.s32 @p1 $0x1  }
0x15: {  	[smem:$0x3FB1] =	sst s0;
	s0 =	simm.s32 @!p2 $0x0  }
0x16: {  	s3 =	sld [smem:$0x3FDB];
	s0 =	simm.s32 @p2 $0x1  }
0x17: {  	s4 =	simm.s32 $0x1BF5;
	[smem:$0x3FB3] =	sst s0  }
0x18: {  	s0 =	sld [smem:$0x3F96];
	_ =	swait.ge [sflag:s4], $0x0  }
0x19: {  	s7 =	sld [smem:$0x3F97]  }
0x1a: {  	s8 =	sadd.s32 $0xFFFFE003, lr  }
0x1b: {  	s9 =	sadd.s32 $0xFFFFFEF7, lr;
	s5 =	simm.s32 $0xFFFFFFFF;
	p2 =	slt.u32 s8, $0xFFFFF086  }
0x1c: {  	p1 =	slt.u32 s9, $0xF7A;
	s5 =	simm.s32 @!p2 $0x0  }
0x1d: {  	s5 =	simm.s32 @p1 $0x1;
	p0 =	seq.s32 s7, s2  }
0x1e: {  	s7 =	smul.u32 @!p0 $0xF7A, s2;
	p2 =	seq.s32 @!p0 s5, $0x0  }
0x1f: {  	s9 =	smul.u32 $0xF7A, s1;
	s8 =	simm.s32 @!p0 $0x1BF5;
	p2 =	por !p2, p0  }
0x20: {  	[sflag:s8] =	ssyncset.s32 @!p0 $0xFFFFF086;
	s6 =	sadd.s32 @!p0 s3, s7;
	s7 =	simm.s32 @!p0 $0x108  }
0x21: {  	s3 =	sadd.s32 s3, s9;
	s6 =	sadd.s32 @!p0 $0x88, s6;
	s7 =	simm.s32 @p2 $0x1082  }
0x22: {  	[simem:s7], [sflag:s8] =	dma.local @!p0 [hbm:s6], $0xF7A  }
0x23: {  	s9 =	sor.u32 $0xD0000000, s2;
	s6 =	simm.s32 $0x108;
	_ =	swait.ge @!p0 [sflag:s8], $0x0  }
0x24: {  	s3 =	sadd.s32 $0x88, s3;
	s6 =	simm.s32 @!p1 $0x1082;
	[sflag:s4] =	ssyncset.s32 $0xFFFFF086  }
0x25: {  	[simem:s6], [sflag:s4] =	dma.local [hbm:s3], $0xF7A  }
0x26: {  	[smem:$0x3F97] =	sst s1;
	(tag) =	ssettag s2;
	_ =	strace s9  }
0x27: {  	s1 =	sld [smem:$0x3FA7]  }
0x28: {  	s2 =	sld [smem:$0x3FA8]  }
0x29: {  	s4 =	sld [smem:$0x3FAA]  }
0x2a: {  	p0 =	seq.s32 s5, $0x0;
	s5 =	sld [smem:$0x3FAB]  }
0x2b: {  	s6 =	sld [smem:$0x3FAC]  }
0x2c: {  	s7 =	sld [smem:$0x3FAD]  }
0x2d: {  	s3 =	simm.s32 $0x108;
	s8 =	sld [smem:$0x3FAE]  }
0x2e: {  	s3 =	simm.s32 @!p0 $0x1082;
	s9 =	sld [smem:$0x3FAF]  }
0x2f: {  	lr =	sadd.s32 s0, s3;
	s0 =	sld [smem:$0x3FA6]  }
0x30: {  	s3 =	sld [smem:$0x3FA9]  }
0x31: {  	[smem:$0x3FB2] =	sst s10  }
0x32: {  	s10 =	sld [smem:$0x3FB0];
	_ =	sdelay $0x3  }
0x33: {  	p0 =	seq.s32 s10, $0x1;
	s10 =	sld [smem:$0x3FB2];
	_ =	sdelay $0x3  }
0x34: {  	[smem:$0x3FB2] =	sst s10  }
0x35: {  	s10 =	sld [smem:$0x3FB1];
	_ =	sdelay $0x3  }
0x36: {  	p1 =	seq.s32 s10, $0x1;
	s10 =	sld [smem:$0x3FB2];
	_ =	sdelay $0x3  }
0x37: {  	[smem:$0x3FB2] =	sst s10  }
0x38: {  	s10 =	sld [smem:$0x3FB3]  }
0x39: {  	_ = 	snop;
	(pc) =	sbr.ind lr, $3  }
0x3a: {  	_ = 	snop  }
0x3b: {  	_ = 	snop  }
0x3c: {  	p2 =	seq.s32 s10, $0x1;
	s10 =	sld [smem:$0x3FB2]  }
0x3d: {  	_ =	shalt  }
0x3e: {  	_ =	shalt  }
0x3f: {  	_ =	shalt  }
0x40: {  	_ =	shalt  }
0x41: {  	_ =	shalt  }
0x42: {  	_ =	shalt  }
0x43: {  	_ =	shalt  }
0x44: {  	_ =	shalt  }
0x45: {  	_ =	shalt  }
0x46: {  	_ =	shalt  }
0x47: {  	_ =	shalt  }
0x48: {  	_ =	shalt  }
0x49: {  	_ =	shalt  }
0x4a: {  	_ =	shalt  }
0x4b: {  	_ =	shalt  }
0x4c: {  	_ =	shalt  }
0x4d: {  	_ =	shalt  }
0x4e: {  	_ =	shalt  }
0x4f: {  	_ =	shalt  }
0x50: {  	_ =	shalt  }
0x51: {  	_ =	shalt  }
0x52: {  	_ =	shalt  }
0x53: {  	_ =	shalt  }
0x54: {  	_ =	shalt  }
0x55: {  	_ =	shalt  }
0x56: {  	_ =	shalt  }
0x57: {  	_ =	shalt  }
0x58: {  	_ =	shalt  }
0x59: {  	_ =	shalt  }
0x5a: {  	_ =	shalt  }
0x5b: {  	_ =	shalt  }
0x5c: {  	_ =	shalt  }
0x5d: {  	_ =	shalt  }
0x5e: {  	_ =	shalt  }
0x5f: {  	_ =	shalt  }
0x60: {  	_ =	shalt  }
0x61: {  	_ =	shalt  }
0x62: {  	_ =	shalt  }
0x63: {  	_ =	shalt  }
0x64: {  	_ =	shalt  }
0x65: {  	_ =	shalt  }
0x66: {  	_ =	shalt  }
0x67: {  	_ =	shalt  }
0x68: {  	_ =	shalt  }
0x69: {  	_ =	shalt  }
0x6a: {  	_ =	shalt  }
0x6b: {  	_ =	shalt  }
0x6c: {  	_ =	shalt  }
0x6d: {  	_ =	shalt  }
0x6e: {  	_ =	shalt  }
0x6f: {  	_ =	shalt  }
0x70: {  	_ =	shalt  }
0x71: {  	_ =	shalt  }
0x72: {  	_ =	shalt  }
0x73: {  	_ =	shalt  }
0x74: {  	_ =	shalt  }
0x75: {  	_ =	shalt  }
0x76: {  	_ =	shalt  }
0x77: {  	_ =	shalt  }
0x78: {  	_ =	shalt  }
0x79: {  	_ =	shalt  }
0x7a: {  	_ =	shalt  }
0x7b: {  	_ =	shalt  }
0x7c: {  	_ =	shalt  }
0x7d: {  	_ =	shalt  }
0x7e: {  	_ =	shalt  }
0x7f: {  	_ =	shalt  }
0x80: {  	_ =	shalt  }
0x81: {  	_ =	shalt  }
0x82: {  	_ =	shalt  }
0x83: {  	_ =	shalt  }
0x84: {  	_ =	shalt  }
0x85: {  	_ =	shalt  }
0x86: {  	_ =	shalt  }
0x87: {  	_ =	shalt  }
.Lfunc_end0:
.L_simem_size_0:
called_computation.1_lowered:
.L_overlay_start_0:
0x88: {  	s2 =	sld [smem:$0x3FD9]  }
0x89: {  	s3 =	sld [smem:$0x3FFE];
	_ =	sdelay $0x1  }
0x8a: {  	s1 =	srdreg.scid  }
0x8b: {  	s0 =	sand.u32 $0x1, s1  }
0x8c: {  	s17 =	sshll.u32 s0, $0xA;
	s2 =	sadd.s32 s3, s2  }
0x8d: {  	s2 =	sadd.s32 s2, s17  }
0x8e: {  	[smem:$0x3FBE] =	sst s2  }
0x8f: {  	_ = 	snop  }
0x90: {  	s2 =	sld [smem:$0x3FD0];
	(tm) =	ssettm $0x1  }
0x91: {  	s18 =	sld [smem:$0x3FFB];
	_ =	sdelay $0x3  }
0x92: {  	_ =	strace s18  }
0x93: {  	s3 =	sld [smem:$0x3FFC];
	_ =	sdelay $0x3  }
0x94: {  	_ =	strace s3  }
0x95: {  	s3 =	sld [smem:$0x3FFD];
	_ =	sdelay $0x3  }
0x96: {  	_ =	strace s3  }
0x97: {  	_ =	strace $0x8FFFFFFF  }
0x98: {  	s19 =	sld [smem:$0x3FDB];
	_ =	sdelay $0x1  }
0x99: {  	s4 =	simm.s32 $_scs_section_size  }
0x9a: {  	s5 =	simm.s32 $_size__tile_overlayer_lowered;
	s6 =	simm.s32 $_tile_overlayer_lowered  }
0x9b: {  	s22 =	simm.s32 $0x1BFF;
	s21 =	sshll.u32 s6, $0x1;
	s3 =	sadd.s32 s4, s19  }
0x9c: {  	s7 =	simm.s32 $0x0;
	s20 =	sshll.u32 s5, $0x1;
	s5 =	sadd.s32 s21, s3  }
0x9d: {  	[timem:s7], [sflag:s22] =	dma.local [hbm:s5], s20  }
0x9e: {  	_ =	swait.ge [sflag:s22], s20  }
0x9f: {  	s4 =	ssub.s32 $0x0, s20;
	[sflag:s22] =	ssyncset.done $0x0  }
0xa0: {  	[sflag:s22] =	ssyncadd.s32 s4;
	_ =	sdelay $0x1  }
0xa1: {  	s23 =	simm.s32 $0x1B8B  }
0xa2: {  	_ =	swait.ge [sflag:s23], $0x1  }
0xa3: {  	[sflag:s23] =	ssyncset.done $0x0  }
0xa4: {  	s25 =	simm.s32 $0x1B8E;
	s24 =	sld [smem:$0x3FFE];
	[sflag:s23] =	ssyncadd.s32 $0xFFFFFFFF  }
0xa5: {  	s26 =	simm.s32 $execute0_lowered;
	[smem:$0x3FD2] =	sst s25  }
0xa6: {  	s5 =	sshll.u32 s26, $0x1;
	_ =	strace $0x80000049;
	[dreg:$0x1] =	wrdreg $0xFFFFFFFF  }
0xa7: {  	s28 =	simm.s32 $_size_execute0_lowered;
	s3 =	sadd.s32 s3, s5;
	[dreg:$0x0] =	wrdreg $0x0  }
0xa8: {  	s5 =	sshll.u32 s28, $0x1;
	[dreg:$0x2] =	wrdreg s3  }
0xa9: {  	[dreg:$0x3] =	wrdreg s5  }
0xaa: {  	[dreg:$0x4] =	wrdreg $0xC0  }
0xab: {  	_ =	task [dreg:s7], $0x5FFFF  }
0xac: {  	[dreg:$0x1] =	wrdreg $0xFFFFFFFF  }
0xad: {  	[dreg:$0x0] =	wrdreg $0x60  }
0xae: {  	[dreg:$0x2] =	wrdreg s24  }
0xaf: {  	[dreg:$0x3] =	wrdreg s2  }
0xb0: {  	[dreg:$0x4] =	wrdreg $0x0  }
0xb1: {  	[dreg:$0x5] =	wrdreg $0x9  }
0xb2: {  	_ =	task.clear_ibuf [dreg:s7], $0x6FFFF;
	_ =	strace $0x90000049  }
0xb3: {  	s29 =	simm.s32 $0x9;
	_ =	strace $0x8000004B  }
0xb4: {  	_ =	swait.ge [sflag:s29], $0x1  }
0xb5: {  	[sflag:s29] =	ssyncadd.s32 $0xFFFFFFFF  }
0xb6: {  	_ =	strace $0x9000004B  }
0xb7: {  	_ =	sfence  }
0xb8: {  	s30 =	sld [smem:$0x0];
	_ =	sdelay $0x2  }
0xb9: {  	s31 =	sshll.u32 s1, $0xD;
	s1 =	sshrl.u32 s1, $0x2  }
0xba: {  	s3 =	sand.u32 $0x4000, s31;
	s1 =	sadd.s32 s1, s30  }
0xbb: {  	s0 =	sor.u32 s3, s0;
	s1 =	sshll.u32 s1, $0x11  }
0xbc: {  	s0 =	sor.u32 s1, s0  }
0xbd: {  	s0 =	sadd.s32 $0x8F2B, s0  }
0xbe: {  	[sflag:s0] =	ssyncadd.remote.s32 $0x1  }
0xbf: {  	_ =	sfence.sel $0xFFFF  }
0xc0: {  	[dreg:$0x0] =	wrdreg $0xFFFFFFFF;
	(pc) =	sbr.abs _section_cstart, $3  }
0xc1: {  	[dreg:$0x1] =	wrdreg $0xFFFFFFFF  }
0xc2: {  	_ =	task.clear_ibuf [dreg:s7], $0x2FFFF;
	_ =	strace $0x9FFFFFFF  }
0xc3: {  	(tm) =	ssettm $0x7FFFFFFF  }
tec
execute0_lowered:
.L_overlay_start_1:
0x0: {  	(tag) =	ssettag $0x1  }
0x1: {  	s0 =	srdreg.scid  }
0x2: {  	s4 =	rddreg [dreg:$0x0];
	s25 =	stileid.u32;
	s1 =	simm.s32 $0x0  }
0x3: {  	s0 =	sand.u32 $0x1, s0;
	s6 =	smul.u32 $0x2710, s25;
	[smem:$0x7FF] =	sst s1  }
0x4: {  	s10 =	sadd.s32 $0xB2A00, s4;
	s14 =	sor.u32 $0x10, s25;
	s15 =	sor.u32 $0x20, s25  }
0x5: {  	s17 =	sor.u32 $0x30, s25;
	s19 =	sor.u32 $0x40, s25;
	s3 =	smul.u32 $0x27100, s0  }
0x6: {  	s20 =	sor.u32 $0x50, s25;
	s2 =	ssub.s32 $0x2, s0;
	s13 =	smul.u32 $0x138800, s0  }
0x7: {  	s21 =	sor.u32 $0x60, s25;
	s0 =	smul.u32 $0x2800, s25;
	s5 =	sshrl.u32 s2, $0x1  }
0x8: {  	s8 =	sor.u32 $0x70, s25;
	s11 =	ssub.s32 s2, s5;
	s2 =	smul.u32 $0x2800, s14  }
0x9: {  	s12 =	sadd.s32 s6, s3;
	s18 =	sadd.s32 s13, s0;
	s3 =	smul.u32 $0x2800, s15  }
0xa: {  	p0 =	sgt.u32 s8, $0x7C;
	s22 =	sshrl.u32 s18, $0x3;
	s11 =	smax.u32 s11, $0x1  }
0xb: {  	s23 =	sadd.s32 s13, s2;
	s5 =	sadd.s32 s10, s22;
	s7 =	sadd.s32 s13, s3  }
0xc: {  	[dreg:$0x4] =	wrdreg s5;
	s6 =	sshrl.u32 s23, $0x3;
	s5 =	smul.u32 $0x2800, s17  }
0xd: {  	s16 =	sshrl.u32 s7, $0x3;
	s7 =	smul.u32 $0x2800, s20;
	s6 =	sadd.s32 s10, s6  }
0xe: {  	s16 =	sadd.s32 s10, s16;
	[dreg:$0x5] =	wrdreg s6;
	s6 =	smul.u32 $0x2800, s19  }
0xf: {  	s9 =	sadd.s32 s13, s5;
	[dreg:$0x6] =	wrdreg s16;
	s28 =	sadd.s32 s13, s7  }
0x10: {  	s18 =	sshrl.u32 s9, $0x3;
	s9 =	smul.u32 $0x2800, s21;
	s23 =	sshrl.u32 s28, $0x3  }
0x11: {  	s22 =	sadd.s32 s13, s6;
	s24 =	sadd.s32 s10, s18;
	s18 =	sadd.s32 $0x2A00, s4  }
0x12: {  	[dreg:$0x7] =	wrdreg s24;
	s26 =	sshrl.u32 s22, $0x3;
	s24 =	smul.u32 $0x2800, s8  }
0x13: {  	s29 =	sadd.s32 s13, s9;
	s22 =	rddreg [dreg:$0x1];
	s8 =	smul.u32 $0xA000, s8  }
0x14: {  	s16 =	sadd.s32 s10, s26;
	s26 =	sshrl.u32 s29, $0x3;
	s29 =	sshrl.u32 s12, $0x3  }
0x15: {  	s12 =	sadd.s32 $0xA0, s12;
	[dreg:$0x8] =	wrdreg s16;
	s16 =	sadd.s32 s10, s23  }
0x16: {  	s28 =	sadd.s32 s10, s26;
	s13 =	sadd.s32 s13, s24;
	s23 =	sadd.s32 s18, s29  }
0x17: {  	s26 =	sadd.s32 s22, s29;
	s12 =	sshrl.u32 s12, $0x3;
	[dreg:$0x9] =	wrdreg s16  }
0x18: {  	s8 =	sshrl.u32 s8, $0x2;
	[dreg:$0xa] =	wrdreg s28;
	s13 =	sshrl.u32 s13, $0x3  }
0x19: {  	[dreg:$0xc] =	wrdreg s23;
	s28 =	sadd.s32 $0xA, s29;
	s29 =	smul.u32 $0xA000, s14  }
0x1a: {  	[dreg:$0xd] =	wrdreg s26;
	s14 =	smul.u32 $0xA000, s25;
	s10 =	sadd.s32 s10, s13  }
0x1b: {  	s25 =	smul.u32 $0xA000, s15;
	s16 =	sadd.s32 s18, s28;
	[dreg:$0xb] =	wrdreg s10  }
0x1c: {  	s26 =	smul.u32 $0xA000, s17;
	s13 =	sadd.s32 s22, s28;
	[dreg:$0xe] =	wrdreg s16  }
0x1d: {  	s23 =	sadd.s32 s12, s22;
	s15 =	smul.u32 $0xA000, s21;
	[dreg:$0xf] =	wrdreg s13  }
0x1e: {  	s22 =	sadd.s32 s12, s18;
	s18 =	sadd.s32 $0xC800, s4;
	s16 =	rddreg [dreg:$0x2]  }
0x1f: {  	s10 =	sshrl.u32 s14, $0x2;
	s28 =	sshrl.u32 s29, $0x2;
	s29 =	smul.u32 $0xA000, s19  }
0x20: {  	s4 =	sshrl.u32 s25, $0x2;
	s13 =	smul.u32 $0xA000, s20;
	s14 =	sshrl.u32 s26, $0x2  }
0x21: {  	s20 =	sshrl.u32 s15, $0x2;
	_ =	strace $0x8000004A;
	[dreg:$0x10] =	wrdreg s11  }
0x22: {  	s10 =	sadd.s32 s10, s16;
	s4 =	sadd.s32 s4, s16;
	s21 =	sadd.s32 s8, s16  }
0x23: {  	s0 =	sadd.s32 s0, s16;
	s2 =	sadd.s32 s2, s16;
	s3 =	sadd.s32 s3, s16  }
0x24: {  	s25 =	sadd.s32 s5, s16;
	s26 =	sadd.s32 s6, s16;
	s8 =	sadd.s32 s24, s16  }
0x25: {  	s5 =	simm.s32 $0x189C0;
	s6 =	simm.s32 $0x3;
	[dreg:$0x11] =	wrdreg s10  }
0x26: {  	s11 =	simm.s32 $0x13970;
	s10 =	sadd.s32 s28, s16;
	[dreg:$0x13] =	wrdreg s4  }
0x27: {  	s12 =	sshrl.u32 s29, $0x2;
	s4 =	sadd.s32 s14, s16;
	s19 =	sshrl.u32 s13, $0x2  }
0x28: {  	[dreg:$0x18] =	wrdreg s21;
	s28 =	sadd.s32 s7, s16;
	s29 =	sadd.s32 s9, s16  }
0x29: {  	s0 =	sshrl.u32 s0, $0x3;
	s30 =	sshrl.u32 s2, $0x3;
	s31 =	sshrl.u32 s3, $0x3  }
0x2a: {  	s13 =	sshrl.u32 s25, $0x3;
	s7 =	simm.s32 $0x13880;
	[dreg:$0x12] =	wrdreg s10  }
0x2b: {  	s9 =	simm.s32 $0x50;
	s14 =	simm.s32 $0x1;
	[dreg:$0x14] =	wrdreg s4  }
0x2c: {  	s17 =	sadd.s32 s12, s16;
	s4 =	sadd.s32 s19, s16;
	[dreg:$0x19] =	wrdreg s0  }
0x2d: {  	s0 =	sshrl.u32 s26, $0x3;
	s2 =	sshrl.u32 s28, $0x3;
	s3 =	sshrl.u32 s29, $0x3  }
0x2e: {  	s10 =	simm.s32 $0x139C0;
	s12 =	simm.s32 $0x2;
	[dreg:$0x15] =	wrdreg s17  }
0x2f: {  	s19 =	simm.s32 $0x0;
	[dreg:$0x16] =	wrdreg s4;
	s4 =	sadd.s32 s20, s16  }
0x30: {  	v0 =	vimm.f32 $0.0e+00;
	[dreg:$0x17] =	wrdreg s4;
	s4 =	sshrl.u32 @!p0 s8, $0x3;
	s8 =	simm.s32 $0x13920  }
.LBB2_1:
0x31: {  	s15 =	simm.s32 $0x0;
	s17 =	simm.s32 $0x200  }
.LBB2_2:
0x32: {  	p1 =	sne.s32 s17, $0x9E00;
	[tilespmem:s15+$0x18A30] =	vst v0  }
0x33: {  	[tilespmem:s15+$0x189C0] =	vst v0  }
0x34: {  	[tilespmem:s15+$0x189D0] =	vst v0  }
.Ltmp0:
0x35: {  	[tilespmem:s15+$0x189E0] =	vst v0;
	(pc) =	sbr.rel @p1 .LBB2_2-.Ltmp0, $4  }
0x36: {  	[tilespmem:s15+$0x189F0] =	vst v0  }
0x37: {  	[tilespmem:s15+$0x18A00] =	vst v0  }
0x38: {  	[tilespmem:s15+$0x18A10] =	vst v0  }
0x39: {  	[tilespmem:s15+$0x18A20] =	vst v0;
	s15 =	sshra.s32 s17, $0x2;
	s17 =	sadd.s32 $0x200, s17  }
0x3a: {  	[tilespmem:s15+$0x18A30] =	vst v0  }
0x3b: {  	[tilespmem:s15+$0x189C0] =	vst v0  }
0x3c: {  	[tilespmem:s15+$0x189D0] =	vst v0  }
0x3d: {  	[tilespmem:s15+$0x189E0] =	vst v0  }
0x3e: {  	[tilespmem:s15+$0x189F0] =	vst v0  }
0x3f: {  	[tilespmem:s15+$0x18A00] =	vst v0  }
0x40: {  	[tilespmem:s15+$0x18A10] =	vst v0  }
0x41: {  	[tilespmem:s15+$0x18A20] =	vst v0;
	s17 =	rddreg [dreg:$0x11]  }
0x42: {  	[spmem:s17] =	stream.linear.scatter [tilespmem:s5], [sflag:$0x3], $0x2800, $0x38;
	[tilespmem:$0x1B1C0] =	vst v63  }
0x43: {  	_ =	swait.ge [sflag:s6], $0x2800  }
0x44: {  	[sflag:s6] =	ssyncset.done $0x0  }
0x45: {  	s20 =	rddreg [dreg:$0x12];
	[sflag:s6] =	ssyncadd.s32 $0xFFFFD800  }
0x46: {  	[spmem:s20] =	stream.linear.scatter [tilespmem:s5], [sflag:$0x3], $0x2800, $0x38;
	[tilespmem:$0x1B1C0] =	vst v63  }
0x47: {  	_ =	swait.ge [sflag:s6], $0x2800  }
0x48: {  	[sflag:s6] =	ssyncset.done $0x0  }
0x49: {  	s21 =	rddreg [dreg:$0x13];
	[sflag:s6] =	ssyncadd.s32 $0xFFFFD800  }
0x4a: {  	[spmem:s21] =	stream.linear.scatter [tilespmem:s5], [sflag:$0x3], $0x2800, $0x38;
	[tilespmem:$0x1B1C0] =	vst v63  }
0x4b: {  	_ =	swait.ge [sflag:s6], $0x2800  }
0x4c: {  	[sflag:s6] =	ssyncset.done $0x0  }
0x4d: {  	s24 =	rddreg [dreg:$0x14];
	[sflag:s6] =	ssyncadd.s32 $0xFFFFD800  }
0x4e: {  	[spmem:s24] =	stream.linear.scatter [tilespmem:s5], [sflag:$0x3], $0x2800, $0x38;
	[tilespmem:$0x1B1C0] =	vst v63  }
0x4f: {  	_ =	swait.ge [sflag:s6], $0x2800  }
0x50: {  	[sflag:s6] =	ssyncset.done $0x0  }
0x51: {  	s25 =	rddreg [dreg:$0x15];
	[sflag:s6] =	ssyncadd.s32 $0xFFFFD800  }
0x52: {  	[spmem:s25] =	stream.linear.scatter [tilespmem:s5], [sflag:$0x3], $0x2800, $0x38;
	[tilespmem:$0x1B1C0] =	vst v63  }
0x53: {  	_ =	swait.ge [sflag:s6], $0x2800  }
0x54: {  	[sflag:s6] =	ssyncset.done $0x0  }
0x55: {  	s26 =	rddreg [dreg:$0x16];
	[sflag:s6] =	ssyncadd.s32 $0xFFFFD800  }
0x56: {  	[spmem:s26] =	stream.linear.scatter [tilespmem:s5], [sflag:$0x3], $0x2800, $0x38;
	[tilespmem:$0x1B1C0] =	vst v63  }
0x57: {  	_ =	swait.ge [sflag:s6], $0x2800  }
0x58: {  	[sflag:s6] =	ssyncset.done $0x0  }
0x59: {  	s28 =	rddreg [dreg:$0x17];
	[sflag:s6] =	ssyncadd.s32 $0xFFFFD800  }
0x5a: {  	[spmem:s28] =	stream.linear.scatter [tilespmem:s5], [sflag:$0x3], $0x2800, $0x38;
	[tilespmem:$0x1B1C0] =	vst v63  }
0x5b: {  	_ =	swait.ge [sflag:s6], $0x2800  }
0x5c: {  	[sflag:s6] =	ssyncset.done $0x0  }
0x5d: {  	s15 =	simm.s32 @!p0 $0x189C0;
	s17 =	rddreg [dreg:$0x18];
	[sflag:s6] =	ssyncadd.s32 $0xFFFFD800  }
0x5e: {  	[spmem:s17] =	stream.linear.scatter @!p0 [tilespmem:s15], [sflag:$0x3], $0x2800, $0x38;
	[tilespmem:$0x1B1C0] =	vst v63  }
0x5f: {  	s15 =	simm.s32 @!p0 $0x3  }
0x60: {  	_ =	swait.ge @!p0 [sflag:s15], $0x2800  }
0x61: {  	[sflag:s15] =	ssyncset.done @!p0 $0x0  }
0x62: {  	[sflag:s15] =	ssyncadd.s32 @!p0 $0xFFFFD800  }
0x63: {  	[bflag:$0x0] =	sbarrier.arrive $0xFFFF  }
0x64: {  	s29 =	simm.s32 $0x0;
	s20 =	rddreg [dreg:$0xc]  }
0x65: {  	[tilespmem:s7], [sflag:$0x3] =	stream.linear.gather [hbm4b:s20+s29], $0x50, $0x38;
	[tilespmem:$0x1B1C0] =	vst v63  }
0x66: {  	_ =	swait.ge [sflag:s6], $0x50  }
0x67: {  	[sflag:s6] =	ssyncset.done $0x0  }
0x68: {  	s21 =	rddreg [dreg:$0xd];
	[sflag:s6] =	ssyncadd.s32 $0xFFFFFFB0  }
0x69: {  	[tilespmem:s8], [sflag:$0x3] =	stream.linear.gather [hbm4b:s21+s29], $0x50, $0x38;
	[tilespmem:$0x1B1C0] =	vst v63  }
0x6a: {  	_ =	swait.ge [sflag:s6], $0x50  }
0x6b: {  	[sflag:s6] =	ssyncset.done $0x0  }
0x6c: {  	[sflag:s6] =	ssyncadd.s32 $0xFFFFFFB0  }
0x6d: {  	[tilespmem:s10], [sflag:$0x1] =	stream.indirect.gather [hbm4b:s18+s9], $0x80, s7, s9, $0xb8;
	[tilespmem:$0x1B1C0] =	vst v63  }
0x6e: {  	s20 =	simm.s32 $0x138D0;
	s24 =	rddreg [dreg:$0xe]  }
0x6f: {  	[tilespmem:s20], [sflag:$0x2] =	stream.linear.gather [hbm4b:s24+s29], $0x50, $0x38;
	[tilespmem:$0x1B1C0] =	vst v63  }
0x70: {  	s25 =	rddreg [dreg:$0xf]  }
0x71: {  	[tilespmem:s11], [sflag:$0x2] =	stream.linear.gather [hbm4b:s25+s29], $0x50, $0x38;
	[tilespmem:$0x1B1C0] =	vst v63  }
0x72: {  	_ =	swait.ge [sflag:s12], $0x50  }
0x73: {  	[sflag:s12] =	ssyncset.done $0x0  }
0x74: {  	s15 =	sand.u32 $0x1, s29;
	[sflag:s12] =	ssyncadd.s32 $0xFFFFFFB0  }
0x75: {  	s26 =	sxor.u32 $0x1, s15;
	s28 =	smul.u32 $0xA000, s15;
	_ =	swait.ge [sflag:s12], $0x50  }
0x76: {  	s17 =	smul.u32 $0x140, s26;
	[sflag:s12] =	ssyncset.done $0x0  }
0x77: {  	s21 =	smul.u32 $0xA000, s26;
	[sflag:s12] =	ssyncadd.s32 $0xFFFFFFB0  }
0x78: {  	s15 =	smul.u32 $0x50, s15;
	s17 =	sshrl.u32 s17, $0x2;
	_ =	swait.ge [sflag:s14], $0x2800  }
0x79: {  	s17 =	sor.u32 $0x13880, s17;
	s21 =	sshrl.u32 s21, $0x2;
	[sflag:s14] =	ssyncset.done $0x0  }
0x7a: {  	s21 =	sadd.s32 $0x139C0, s21;
	s20 =	sshrl.u32 s28, $0x2;
	[sflag:s14] =	ssyncadd.s32 $0xFFFFD800  }
0x7b: {  	[tilespmem:s21], [sflag:$0x1] =	stream.indirect.gather [hbm4b:s18+s9], $0x80, s17, s9, $0xb8;
	[tilespmem:$0x1B1C0] =	vst v63  }
0x7c: {  	s24 =	sadd.s32 $0x13920, s15;
	s29 =	sadd.s32 $0x139C0, s20  }
0x7d: {  	[spmem:s16] =	stream.indirect.scatter.add.f32 [tilespmem:s29], [sflag:$0x3], $0x80, s24, s9, $0xb8;
	[tilespmem:$0x1B1C0] =	vst v63  }
0x7e: {  	_ =	swait.ge [sflag:s6], $0x2800  }
0x7f: {  	[sflag:s6] =	ssyncset.done $0x0  }
0x80: {  	s15 =	sor.u32 $0x13880, s15;
	s20 =	simm.s32 $0x1;
	[sflag:s6] =	ssyncadd.s32 $0xFFFFD800  }
0x81: {  	[tilespmem:s15], [sflag:$0x2] =	stream.linear.gather [hbm4b:s22+s1], $0x50, $0x38;
	[tilespmem:$0x1B1C0] =	vst v63  }
0x82: {  	s17 =	smov.u32 s22;
	s21 =	smov.u32 s23;
	s15 =	smov.u32 s23  }
.LBB2_4:
0x83: {  	p1 =	sne.s32 s20, $0x7A  }
0x84: {  	s15 =	sadd.s32 $0xA, s15;
	s17 =	sadd.s32 $0xA, s17;
	s25 =	smov.u32 s20  }
0x85: {  	[tilespmem:s24], [sflag:$0x2] =	stream.linear.gather [hbm4b:s21+s1], $0x50, $0x38;
	[tilespmem:$0x1B1C0] =	vst v63  }
0x86: {  	s20 =	sadd.s32 $0x1, s20;
	s21 =	smov.u32 s15;
	_ =	swait.ge [sflag:s12], $0x50  }
0x87: {  	[sflag:s12] =	ssyncset.done $0x0  }
0x88: {  	[sflag:s12] =	ssyncadd.s32 $0xFFFFFFB0  }
0x89: {  	s24 =	sand.u32 $0x1, s25;
	_ =	swait.ge [sflag:s12], $0x50  }
0x8a: {  	s25 =	sxor.u32 $0x1, s24;
	s26 =	smul.u32 $0xA000, s24;
	[sflag:s12] =	ssyncset.done $0x0  }
0x8b: {  	s28 =	smul.u32 $0xA000, s25;
	[sflag:s12] =	ssyncadd.s32 $0xFFFFFFB0  }
0x8c: {  	s25 =	smul.u32 $0x140, s25;
	s26 =	sshrl.u32 s26, $0x2;
	_ =	swait.ge [sflag:s14], $0x2800  }
0x8d: {  	s29 =	smul.u32 $0x50, s24;
	s28 =	sshrl.u32 s28, $0x2;
	[sflag:s14] =	ssyncset.done $0x0  }
0x8e: {  	s24 =	sshrl.u32 s25, $0x2;
	s28 =	sadd.s32 $0x139C0, s28;
	[sflag:s14] =	ssyncadd.s32 $0xFFFFD800  }
0x8f: {  	s25 =	sadd.s32 $0x139C0, s26;
	s26 =	sor.u32 $0x13880, s24;
	s24 =	sadd.s32 $0x13920, s29  }
0x90: {  	[tilespmem:s28], [sflag:$0x1] =	stream.indirect.gather [hbm4b:s18+s9], $0x80, s26, s9, $0xb8;
	[tilespmem:$0x1B1C0] =	vst v63  }
0x91: {  	_ = 	snop  }
0x92: {  	[spmem:s16] =	stream.indirect.scatter.add.f32 [tilespmem:s25], [sflag:$0x3], $0x80, s24, s9, $0xb8;
	[tilespmem:$0x1B1C0] =	vst v63  }
.Ltmp1:
0x93: {  	_ = 	snop;
	(pc) =	sbr.rel @p1 .LBB2_4-.Ltmp1, $4  }
0x94: {  	_ =	swait.ge [sflag:s6], $0x2800  }
0x95: {  	s25 =	sor.u32 $0x13880, s29;
	[sflag:s6] =	ssyncset.done $0x0  }
0x96: {  	[sflag:s6] =	ssyncadd.s32 $0xFFFFD800  }
0x97: {  	[tilespmem:s25], [sflag:$0x2] =	stream.linear.gather [hbm4b:s17+s1], $0x50, $0x38;
	[tilespmem:$0x1B1C0] =	vst v63  }
0x98: {  	[tilespmem:s24], [sflag:$0x2] =	stream.linear.gather [hbm4b:s21+s1], $0x50, $0x38;
	[tilespmem:$0x1B1C0] =	vst v63  }
0x99: {  	_ =	swait.ge [sflag:s12], $0x50  }
0x9a: {  	[sflag:s12] =	ssyncset.done $0x0  }
0x9b: {  	[sflag:s12] =	ssyncadd.s32 $0xFFFFFFB0  }
0x9c: {  	_ =	swait.ge [sflag:s12], $0x50  }
0x9d: {  	[sflag:s12] =	ssyncset.done $0x0  }
0x9e: {  	[sflag:s12] =	ssyncadd.s32 $0xFFFFFFB0  }
0x9f: {  	_ =	swait.ge [sflag:s14], $0x2800  }
0xa0: {  	[sflag:s14] =	ssyncset.done $0x0  }
0xa1: {  	[sflag:s14] =	ssyncadd.s32 $0xFFFFD800  }
0xa2: {  	[tilespmem:s10], [sflag:$0x1] =	stream.indirect.gather [hbm4b:s18+s9], $0x80, s7, s9, $0xb8;
	[tilespmem:$0x1B1C0] =	vst v63  }
0xa3: {  	s15 =	simm.s32 $0x161C0  }
0xa4: {  	[spmem:s16] =	stream.indirect.scatter.add.f32 [tilespmem:s15], [sflag:$0x3], $0x80, s11, s9, $0xb8;
	[tilespmem:$0x1B1C0] =	vst v63  }
0xa5: {  	_ =	swait.ge [sflag:s6], $0x2800  }
0xa6: {  	[sflag:s6] =	ssyncset.done $0x0  }
0xa7: {  	[sflag:s6] =	ssyncadd.s32 $0xFFFFD800  }
0xa8: {  	_ =	swait.ge [sflag:s14], $0x2800  }
0xa9: {  	[sflag:s14] =	ssyncset.done $0x0  }
0xaa: {  	[sflag:s14] =	ssyncadd.s32 $0xFFFFD800  }
0xab: {  	[spmem:s16] =	stream.indirect.scatter.add.f32 [tilespmem:s10], [sflag:$0x3], $0x80, s8, s9, $0xb8;
	[tilespmem:$0x1B1C0] =	vst v63  }
0xac: {  	_ =	swait.ge [sflag:s6], $0x2800  }
0xad: {  	[sflag:s6] =	ssyncset.done $0x0  }
0xae: {  	[sflag:s6] =	ssyncadd.s32 $0xFFFFD800  }
0xaf: {  	s17 =	stileid.u32;
	[bflag:$0x0] =	sbarrier.arrive $0xFFFF  }
0xb0: {  	s15 =	sshll.u32 s17, $0x6;
	s17 =	rddreg [dreg:$0x4]  }
0xb1: {  	s15 =	sor.u32 $0x1C03, s15;
	s20 =	rddreg [dreg:$0x19]  }
0xb2: {  	[hbm:s17], [sflag:s15] =	dma.local [spmem:s20], $0x500  }
0xb3: {  	_ =	swait.ge [sflag:s6], $0x500  }
0xb4: {  	[sflag:s6] =	ssyncset.done $0x0  }
0xb5: {  	s20 =	rddreg [dreg:$0x5];
	[sflag:s6] =	ssyncadd.s32 $0xFFFFFB00  }
0xb6: {  	[hbm:s20], [sflag:s15] =	dma.local [spmem:s30], $0x500  }
0xb7: {  	_ =	swait.ge [sflag:s6], $0x500  }
0xb8: {  	[sflag:s6] =	ssyncset.done $0x0  }
0xb9: {  	s21 =	rddreg [dreg:$0x6];
	[sflag:s6] =	ssyncadd.s32 $0xFFFFFB00  }
0xba: {  	[hbm:s21], [sflag:s15] =	dma.local [spmem:s31], $0x500  }
0xbb: {  	_ =	swait.ge [sflag:s6], $0x500  }
0xbc: {  	[sflag:s6] =	ssyncset.done $0x0  }
0xbd: {  	s24 =	rddreg [dreg:$0x7];
	[sflag:s6] =	ssyncadd.s32 $0xFFFFFB00  }
0xbe: {  	[hbm:s24], [sflag:s15] =	dma.local [spmem:s13], $0x500  }
0xbf: {  	_ =	swait.ge [sflag:s6], $0x500  }
0xc0: {  	[sflag:s6] =	ssyncset.done $0x0  }
0xc1: {  	s25 =	rddreg [dreg:$0x8];
	[sflag:s6] =	ssyncadd.s32 $0xFFFFFB00  }
0xc2: {  	[hbm:s25], [sflag:s15] =	dma.local [spmem:s0], $0x500  }
0xc3: {  	_ =	swait.ge [sflag:s6], $0x500  }
0xc4: {  	[sflag:s6] =	ssyncset.done $0x0  }
0xc5: {  	s26 =	rddreg [dreg:$0x9];
	[sflag:s6] =	ssyncadd.s32 $0xFFFFFB00  }
0xc6: {  	[hbm:s26], [sflag:s15] =	dma.local [spmem:s2], $0x500  }
0xc7: {  	_ =	swait.ge [sflag:s6], $0x500  }
0xc8: {  	[sflag:s6] =	ssyncset.done $0x0  }
0xc9: {  	s28 =	rddreg [dreg:$0xa];
	[sflag:s6] =	ssyncadd.s32 $0xFFFFFB00  }
0xca: {  	[hbm:s28], [sflag:s15] =	dma.local [spmem:s3], $0x500  }
0xcb: {  	_ =	swait.ge [sflag:s6], $0x500  }
0xcc: {  	[sflag:s6] =	ssyncset.done $0x0  }
0xcd: {  	s17 =	rddreg [dreg:$0xb];
	[sflag:s6] =	ssyncadd.s32 $0xFFFFFB00  }
0xce: {  	[hbm:s17], [sflag:s15] =	dma.local @!p0 [spmem:s4], $0x500  }
0xcf: {  	s15 =	simm.s32 @!p0 $0x3  }
0xd0: {  	_ =	swait.ge @!p0 [sflag:s15], $0x500  }
0xd1: {  	s19 =	sadd.s32 $0x1, s19;
	s29 =	rddreg [dreg:$0x10]  }
0xd2: {  	p1 =	sne.s32 s19, s29  }
.Ltmp2:
0xd3: {  	_ = 	snop;
	(pc) =	sbr.rel @p1 .LBB2_1-.Ltmp2, $3  }
0xd4: {  	_ =	sdelay $0x1  }
0xd5: {  	[sflag:s15] =	ssyncset.done @!p0 $0x0  }
0xd6: {  	[sflag:s15] =	ssyncadd.s32 @!p0 $0xFFFFFB00  }
0xd7: {  	_ =	sfence.sel $0x180000  }
0xd8: {  	[bflag:$0x0] =	sbarrier.arrive $0xFFFF  }
0xd9: {  	_ =	strace $0x9000004A  }
0xda: {  	s0 =	stileid.u32;
	[bflag:$0x2] =	sbarrier.arrive $0xFFFF  }
0xdb: {  	p0 =	sne.s32 s0, $0x0;
	s0 =	rddreg [dreg:$0x3]  }
0xdc: {  	s0 =	sadd.s32 @!p0 $0x100000, s0  }
0xdd: {  	[sflag:s0] =	ssyncadd.tile.s32 @!p0 $0x1;
	_ =	shalt  }
.Lfunc_end2:
_tile_overlayer_lowered:
.L_overlay_start_2:
0xde: {  	(tag) =	ssettag $0x2  }
0xdf: {  	s0 =	rddreg [dreg:$0x0];
	s2 =	stileid.u32  }
0xe0: {  	s1 =	rddreg [dreg:$0x1];
	p0 =	sne.s32 s2, $0x0  }
0xe1: {  	s3 =	rddreg [dreg:$0x2];
	[bflag:$0x3] =	sbarrier.arrive $0xFFFF;
	s2 =	simm.s32 @!p0 $0x1C03  }
0xe2: {  	[timem:s3], [sflag:s2] =	dma.local @!p0 [hbm:s0], s1  }
0xe3: {  	s0 =	simm.s32 @!p0 $0x3  }
0xe4: {  	_ =	swait.ge @!p0 [sflag:s0], s1  }
0xe5: {  	s1 =	ssub.s32 @!p0 $0x0, s1;
	[sflag:s0] =	ssyncset.done @!p0 $0x0  }
0xe6: {  	[sflag:s0] =	ssyncadd.s32 @!p0 s1  }
0xe7: {  	[bflag:$0x3] =	sbarrier.arrive $0xFFFF  }
0xe8: {  	_ =	shalt  }

// kernel: sc_segment_sum_deg.3.cloned.1.call-start
scs
__scs_entry_jumppad:
0x0: {  	(pc) =	sbr.rel $0x88, $3  }
0x1: {  	(tag) =	ssettag $0x0;
	lr =	simm.s32 $0x1  }
0x2: {  	[smem:$0x3F97] =	sst lr;
	_ =	strace $0xD0000000  }
0x3: {  	_ = 	snop  }
0x4: {  	_ = 	snop  }
0x5: {  	_ = 	snop  }
0x6: {  	_ = 	snop  }
0x7: {  	_ = 	snop  }
__scs_overlays_trampoline_lowered:
0x8: {  	[smem:$0x3FA6] =	sst s0  }
0x9: {  	[smem:$0x3FA7] =	sst s1  }
0xa: {  	[smem:$0x3FA8] =	sst s2  }
0xb: {  	[smem:$0x3FA9] =	sst s3  }
0xc: {  	[smem:$0x3FAA] =	sst s4  }
0xd: {  	[smem:$0x3FAB] =	sst s5  }
0xe: {  	[smem:$0x3FAC] =	sst s6  }
0xf: {  	[smem:$0x3FAD] =	sst s7  }
0x10: {  	[smem:$0x3FAE] =	sst s8  }
0x11: {  	[smem:$0x3FAF] =	sst s9;
	s0 =	simm.s32 @!p0 $0x0  }
0x12: {  	s1 =	sld [smem:$0x3F95];
	s0 =	simm.s32 @p0 $0x1  }
0x13: {  	[smem:$0x3FB0] =	sst s0;
	s0 =	simm.s32 @!p1 $0x0  }
0x14: {  	s2 =	sld [smem:$0x3F94];
	s0 =	simm.s32 @p1 $0x1  }
0x15: {  	[smem:$0x3FB1] =	sst s0;
	s0 =	simm.s32 @!p2 $0x0  }
0x16: {  	s3 =	sld [smem:$0x3FDB];
	s0 =	simm.s32 @p2 $0x1  }
0x17: {  	s4 =	simm.s32 $0x1BF5;
	[smem:$0x3FB3] =	sst s0  }
0x18: {  	s0 =	sld [smem:$0x3F96];
	_ =	swait.ge [sflag:s4], $0x0  }
0x19: {  	s7 =	sld [smem:$0x3F97]  }
0x1a: {  	s8 =	sadd.s32 $0xFFFFE003, lr  }
0x1b: {  	s9 =	sadd.s32 $0xFFFFFEF7, lr;
	s5 =	simm.s32 $0xFFFFFFFF;
	p2 =	slt.u32 s8, $0xFFFFF086  }
0x1c: {  	p1 =	slt.u32 s9, $0xF7A;
	s5 =	simm.s32 @!p2 $0x0  }
0x1d: {  	s5 =	simm.s32 @p1 $0x1;
	p0 =	seq.s32 s7, s2  }
0x1e: {  	s7 =	smul.u32 @!p0 $0xF7A, s2;
	p2 =	seq.s32 @!p0 s5, $0x0  }
0x1f: {  	s9 =	smul.u32 $0xF7A, s1;
	s8 =	simm.s32 @!p0 $0x1BF5;
	p2 =	por !p2, p0  }
0x20: {  	[sflag:s8] =	ssyncset.s32 @!p0 $0xFFFFF086;
	s6 =	sadd.s32 @!p0 s3, s7;
	s7 =	simm.s32 @!p0 $0x108  }
0x21: {  	s3 =	sadd.s32 s3, s9;
	s6 =	sadd.s32 @!p0 $0x88, s6;
	s7 =	simm.s32 @p2 $0x1082  }
0x22: {  	[simem:s7], [sflag:s8] =	dma.local @!p0 [hbm:s6], $0xF7A  }
0x23: {  	s9 =	sor.u32 $0xD0000000, s2;
	s6 =	simm.s32 $0x108;
	_ =	swait.ge @!p0 [sflag:s8], $0x0  }
0x24: {  	s3 =	sadd.s32 $0x88, s3;
	s6 =	simm.s32 @!p1 $0x1082;
	[sflag:s4] =	ssyncset.s32 $0xFFFFF086  }
0x25: {  	[simem:s6], [sflag:s4] =	dma.local [hbm:s3], $0xF7A  }
0x26: {  	[smem:$0x3F97] =	sst s1;
	(tag) =	ssettag s2;
	_ =	strace s9  }
0x27: {  	s1 =	sld [smem:$0x3FA7]  }
0x28: {  	s2 =	sld [smem:$0x3FA8]  }
0x29: {  	s4 =	sld [smem:$0x3FAA]  }
0x2a: {  	p0 =	seq.s32 s5, $0x0;
	s5 =	sld [smem:$0x3FAB]  }
0x2b: {  	s6 =	sld [smem:$0x3FAC]  }
0x2c: {  	s7 =	sld [smem:$0x3FAD]  }
0x2d: {  	s3 =	simm.s32 $0x108;
	s8 =	sld [smem:$0x3FAE]  }
0x2e: {  	s3 =	simm.s32 @!p0 $0x1082;
	s9 =	sld [smem:$0x3FAF]  }
0x2f: {  	lr =	sadd.s32 s0, s3;
	s0 =	sld [smem:$0x3FA6]  }
0x30: {  	s3 =	sld [smem:$0x3FA9]  }
0x31: {  	[smem:$0x3FB2] =	sst s10  }
0x32: {  	s10 =	sld [smem:$0x3FB0];
	_ =	sdelay $0x3  }
0x33: {  	p0 =	seq.s32 s10, $0x1;
	s10 =	sld [smem:$0x3FB2];
	_ =	sdelay $0x3  }
0x34: {  	[smem:$0x3FB2] =	sst s10  }
0x35: {  	s10 =	sld [smem:$0x3FB1];
	_ =	sdelay $0x3  }
0x36: {  	p1 =	seq.s32 s10, $0x1;
	s10 =	sld [smem:$0x3FB2];
	_ =	sdelay $0x3  }
0x37: {  	[smem:$0x3FB2] =	sst s10  }
0x38: {  	s10 =	sld [smem:$0x3FB3]  }
0x39: {  	_ = 	snop;
	(pc) =	sbr.ind lr, $3  }
0x3a: {  	_ = 	snop  }
0x3b: {  	_ = 	snop  }
0x3c: {  	p2 =	seq.s32 s10, $0x1;
	s10 =	sld [smem:$0x3FB2]  }
0x3d: {  	_ =	shalt  }
0x3e: {  	_ =	shalt  }
0x3f: {  	_ =	shalt  }
0x40: {  	_ =	shalt  }
0x41: {  	_ =	shalt  }
0x42: {  	_ =	shalt  }
0x43: {  	_ =	shalt  }
0x44: {  	_ =	shalt  }
0x45: {  	_ =	shalt  }
0x46: {  	_ =	shalt  }
0x47: {  	_ =	shalt  }
0x48: {  	_ =	shalt  }
0x49: {  	_ =	shalt  }
0x4a: {  	_ =	shalt  }
0x4b: {  	_ =	shalt  }
0x4c: {  	_ =	shalt  }
0x4d: {  	_ =	shalt  }
0x4e: {  	_ =	shalt  }
0x4f: {  	_ =	shalt  }
0x50: {  	_ =	shalt  }
0x51: {  	_ =	shalt  }
0x52: {  	_ =	shalt  }
0x53: {  	_ =	shalt  }
0x54: {  	_ =	shalt  }
0x55: {  	_ =	shalt  }
0x56: {  	_ =	shalt  }
0x57: {  	_ =	shalt  }
0x58: {  	_ =	shalt  }
0x59: {  	_ =	shalt  }
0x5a: {  	_ =	shalt  }
0x5b: {  	_ =	shalt  }
0x5c: {  	_ =	shalt  }
0x5d: {  	_ =	shalt  }
0x5e: {  	_ =	shalt  }
0x5f: {  	_ =	shalt  }
0x60: {  	_ =	shalt  }
0x61: {  	_ =	shalt  }
0x62: {  	_ =	shalt  }
0x63: {  	_ =	shalt  }
0x64: {  	_ =	shalt  }
0x65: {  	_ =	shalt  }
0x66: {  	_ =	shalt  }
0x67: {  	_ =	shalt  }
0x68: {  	_ =	shalt  }
0x69: {  	_ =	shalt  }
0x6a: {  	_ =	shalt  }
0x6b: {  	_ =	shalt  }
0x6c: {  	_ =	shalt  }
0x6d: {  	_ =	shalt  }
0x6e: {  	_ =	shalt  }
0x6f: {  	_ =	shalt  }
0x70: {  	_ =	shalt  }
0x71: {  	_ =	shalt  }
0x72: {  	_ =	shalt  }
0x73: {  	_ =	shalt  }
0x74: {  	_ =	shalt  }
0x75: {  	_ =	shalt  }
0x76: {  	_ =	shalt  }
0x77: {  	_ =	shalt  }
0x78: {  	_ =	shalt  }
0x79: {  	_ =	shalt  }
0x7a: {  	_ =	shalt  }
0x7b: {  	_ =	shalt  }
0x7c: {  	_ =	shalt  }
0x7d: {  	_ =	shalt  }
0x7e: {  	_ =	shalt  }
0x7f: {  	_ =	shalt  }
0x80: {  	_ =	shalt  }
0x81: {  	_ =	shalt  }
0x82: {  	_ =	shalt  }
0x83: {  	_ =	shalt  }
0x84: {  	_ =	shalt  }
0x85: {  	_ =	shalt  }
0x86: {  	_ =	shalt  }
0x87: {  	_ =	shalt  }
.Lfunc_end0:
.L_simem_size_0:
called_computation_lowered:
.L_overlay_start_0:
0x88: {  	s2 =	sld [smem:$0x3FD9]  }
0x89: {  	s3 =	sld [smem:$0x3FFE];
	_ =	sdelay $0x1  }
0x8a: {  	s1 =	srdreg.scid  }
0x8b: {  	s0 =	sand.u32 $0x1, s1  }
0x8c: {  	s17 =	sshll.u32 s0, $0xA;
	s2 =	sadd.s32 s3, s2  }
0x8d: {  	s2 =	sadd.s32 s2, s17  }
0x8e: {  	[smem:$0x3FBE] =	sst s2  }
0x8f: {  	_ = 	snop  }
0x90: {  	s2 =	sld [smem:$0x3FC9]  }
0x91: {  	s18 =	sld [smem:$0x3FD0];
	(tm) =	ssettm $0x1  }
0x92: {  	s4 =	sld [smem:$0x3FFB];
	_ =	sdelay $0x3  }
0x93: {  	_ =	strace s4  }
0x94: {  	s4 =	sld [smem:$0x3FFC];
	_ =	sdelay $0x3  }
0x95: {  	_ =	strace s4  }
0x96: {  	s4 =	sld [smem:$0x3FFD];
	_ =	sdelay $0x3  }
0x97: {  	_ =	strace s4  }
0x98: {  	_ =	strace $0x8FFFFFFF  }
0x99: {  	s19 =	sld [smem:$0x3FDB];
	_ =	sdelay $0x1  }
0x9a: {  	s5 =	simm.s32 $_scs_section_size  }
0x9b: {  	s6 =	simm.s32 $_size__tile_overlayer_lowered;
	s7 =	simm.s32 $_tile_overlayer_lowered  }
0x9c: {  	s22 =	simm.s32 $0x1BFF;
	s21 =	sshll.u32 s7, $0x1;
	s4 =	sadd.s32 s5, s19  }
0x9d: {  	s8 =	simm.s32 $0x0;
	s20 =	sshll.u32 s6, $0x1;
	s6 =	sadd.s32 s21, s4  }
0x9e: {  	[timem:s8], [sflag:s22] =	dma.local [hbm:s6], s20  }
0x9f: {  	_ =	swait.ge [sflag:s22], s20  }
0xa0: {  	s5 =	ssub.s32 $0x0, s20;
	[sflag:s22] =	ssyncset.done $0x0  }
0xa1: {  	[sflag:s22] =	ssyncadd.s32 s5;
	_ =	sdelay $0x1  }
0xa2: {  	s23 =	simm.s32 $0x1B8B  }
0xa3: {  	_ =	swait.ge [sflag:s23], $0x1  }
0xa4: {  	[sflag:s23] =	ssyncset.done $0x0  }
0xa5: {  	s25 =	simm.s32 $0x1B8E;
	s24 =	sld [smem:$0x3FFE];
	[sflag:s23] =	ssyncadd.s32 $0xFFFFFFFF  }
0xa6: {  	s26 =	simm.s32 $execute0_lowered;
	[smem:$0x3FD2] =	sst s25  }
0xa7: {  	s6 =	sshll.u32 s26, $0x1;
	_ =	strace $0x80000046;
	[dreg:$0x1] =	wrdreg $0xFFFFFFFF  }
0xa8: {  	s28 =	simm.s32 $_size_execute0_lowered;
	s4 =	sadd.s32 s4, s6;
	[dreg:$0x0] =	wrdreg $0x0  }
0xa9: {  	s6 =	sshll.u32 s28, $0x1;
	[dreg:$0x2] =	wrdreg s4  }
0xaa: {  	[dreg:$0x3] =	wrdreg s6  }
0xab: {  	[dreg:$0x4] =	wrdreg $0xC0  }
0xac: {  	_ =	task [dreg:s8], $0x5FFFF  }
0xad: {  	[dreg:$0x1] =	wrdreg $0xFFFFFFFF  }
0xae: {  	[dreg:$0x0] =	wrdreg $0x60  }
0xaf: {  	[dreg:$0x2] =	wrdreg s2  }
0xb0: {  	[dreg:$0x3] =	wrdreg s24  }
0xb1: {  	[dreg:$0x4] =	wrdreg s18  }
0xb2: {  	[dreg:$0x5] =	wrdreg $0x0  }
0xb3: {  	[dreg:$0x6] =	wrdreg $0x1B1C00  }
0xb4: {  	[dreg:$0x7] =	wrdreg $0x9  }
0xb5: {  	_ =	task.clear_ibuf [dreg:s8], $0x8FFFF;
	_ =	strace $0x90000046  }
0xb6: {  	s29 =	simm.s32 $0x9;
	_ =	strace $0x80000048  }
0xb7: {  	_ =	swait.ge [sflag:s29], $0x1  }
0xb8: {  	[sflag:s29] =	ssyncadd.s32 $0xFFFFFFFF  }
0xb9: {  	_ =	strace $0x90000048  }
0xba: {  	_ =	sfence  }
0xbb: {  	s30 =	sld [smem:$0x0];
	_ =	sdelay $0x2  }
0xbc: {  	s31 =	sshll.u32 s1, $0xD;
	s1 =	sshrl.u32 s1, $0x2  }
0xbd: {  	s3 =	sand.u32 $0x4000, s31;
	s1 =	sadd.s32 s1, s30  }
0xbe: {  	s0 =	sor.u32 s3, s0;
	s1 =	sshll.u32 s1, $0x11  }
0xbf: {  	s0 =	sor.u32 s1, s0  }
0xc0: {  	s0 =	sadd.s32 $0x8F2B, s0  }
0xc1: {  	[sflag:s0] =	ssyncadd.remote.s32 $0x1  }
0xc2: {  	_ =	sfence.sel $0xFFFF  }
0xc3: {  	[dreg:$0x0] =	wrdreg $0xFFFFFFFF;
	(pc) =	sbr.abs _section_cstart, $3  }
0xc4: {  	[dreg:$0x1] =	wrdreg $0xFFFFFFFF  }
0xc5: {  	_ =	task.clear_ibuf [dreg:s8], $0x2FFFF;
	_ =	strace $0x9FFFFFFF  }
0xc6: {  	(tm) =	ssettm $0x7FFFFFFF  }
0xc7: {  	_ =	shalt  }
tec
execute0_lowered:
.L_overlay_start_1:
0x0: {  	(tag) =	ssettag $0x1  }
0x1: {  	s0 =	rddreg [dreg:$0x0];
	s1 =	srdreg.scid  }
0x2: {  	s6 =	rddreg [dreg:$0x1];
	s8 =	sand.u32 $0x1, s1  }
0x3: {  	s1 =	stileid.u32;
	s2 =	smul.u32 $0x138800, s8  }
0x4: {  	s7 =	rddreg [dreg:$0x2];
	s9 =	smul.u32 $0x2800, s1  }
0x5: {  	s3 =	rddreg [dreg:$0x3];
	s10 =	smul.u32 $0x27100, s8  }
0x6: {  	s4 =	rddreg [dreg:$0x4];
	s5 =	simm.s32 $0x0;
	s26 =	smul.u32 $0x500, s1  }
0x7: {  	[smem:$0x7FF] =	sst s5;
	s13 =	sadd.s32 $0x2A00, s6;
	s11 =	smul.u32 $0x2710, s1  }
0x8: {  	_ =	strace $0x80000047;
	s8 =	ssub.s32 $0x2, s8;
	s15 =	smul.u32 $0xA000, s1  }
0x9: {  	s16 =	smul.u32 $0x1400, s1;
	s22 =	sor.u32 $0x30, s1;
	s28 =	sshrl.u32 s8, $0x1  }
0xa: {  	s24 =	smul.u32 $0xA000, s22;
	s2 =	sadd.s32 s9, s2;
	s9 =	sadd.s32 s26, s10  }
0xb: {  	s10 =	sadd.s32 s11, s10;
	s8 =	ssub.s32 s8, s28;
	s17 =	sshrl.u32 s15, $0x2  }
0xc: {  	s15 =	sor.u32 $0x20, s1;
	s26 =	smul.u32 $0x1400, s22;
	s28 =	sor.u32 $0x40, s1  }
0xd: {  	s2 =	sshrl.u32 s2, $0x3;
	s9 =	sshrl.u32 s9, $0x3;
	s11 =	sshrl.u32 s10, $0x3  }
0xe: {  	s8 =	smax.u32 s8, $0x1;
	s21 =	smul.u32 $0x1400, s15;
	s10 =	sadd.s32 $0xA0, s10  }
0xf: {  	s2 =	sadd.s32 s2, s6;
	s29 =	sadd.s32 s13, s11;
	[dreg:$0xa] =	wrdreg s8  }
0x10: {  	s12 =	sadd.s32 $0xA, s11;
	s11 =	sadd.s32 s7, s11;
	[dreg:$0x6] =	wrdreg s29  }
0x11: {  	s6 =	sadd.s32 s9, s6;
	s10 =	sshrl.u32 s10, $0x3;
	[dreg:$0x7] =	wrdreg s11  }
0x12: {  	s14 =	sadd.s32 s13, s12;
	s9 =	sadd.s32 s7, s12;
	s12 =	sor.u32 $0x10, s1  }
0x13: {  	s11 =	sadd.s32 s17, s3;
	s25 =	sshrl.u32 s21, $0x2;
	s29 =	smul.u32 $0xA000, s28  }
0x14: {  	s7 =	sadd.s32 s10, s7;
	[dreg:$0x8] =	wrdreg s14;
	s14 =	smul.u32 $0xA000, s12  }
0x15: {  	s17 =	sor.u32 $0x50, s1;
	s21 =	sor.u32 $0x60, s1;
	s18 =	smul.u32 $0x1400, s12  }
0x16: {  	[dreg:$0x9] =	wrdreg s9;
	s9 =	sshrl.u32 s16, $0x2;
	s16 =	smul.u32 $0xA000, s15  }
0x17: {  	s30 =	sadd.s32 $0x16600, s2;
	s31 =	sadd.s32 $0xC800, s6;
	s15 =	smul.u32 $0x1400, s28  }
0x18: {  	s2 =	simm.s32 $0x189C0;
	[dreg:$0x19] =	wrdreg s7;
	s7 =	smul.u32 $0x1400, s17  }
0x19: {  	s6 =	simm.s32 $0x4;
	s22 =	smul.u32 $0xA000, s21;
	s12 =	sadd.s32 s9, s4  }
0x1a: {  	s9 =	sadd.s32 s25, s4;
	s14 =	sshrl.u32 s14, $0x2;
	s8 =	sshrl.u32 s18, $0x2  }
0x1b: {  	s20 =	sshrl.u32 s16, $0x2;
	[dreg:$0xe] =	wrdreg s9;
	s9 =	sshrl.u32 s29, $0x2  }
0x1c: {  	s16 =	sadd.s32 s10, s13;
	s7 =	sshrl.u32 s7, $0x2;
	s10 =	smul.u32 $0x1400, s21  }
0x1d: {  	s25 =	sshrl.u32 s22, $0x2;
	s13 =	simm.s32 $0x50;
	s21 =	simm.s32 $0x0  }
0x1e: {  	s19 =	sadd.s32 s14, s3;
	s8 =	sadd.s32 s8, s4;
	[dreg:$0x1a] =	wrdreg s16  }
0x1f: {  	s23 =	sadd.s32 s20, s3;
	s14 =	sshrl.u32 s26, $0x2;
	[dreg:$0xb] =	wrdreg s19  }
0x20: {  	s18 =	sadd.s32 s9, s3;
	s20 =	sshrl.u32 s15, $0x2;
	[dreg:$0xc] =	wrdreg s8  }
0x21: {  	s7 =	sadd.s32 s7, s4;
	s15 =	simm.s32 $0x13920;
	[dreg:$0xd] =	wrdreg s23  }
0x22: {  	s16 =	simm.s32 $0x2;
	s8 =	sshrl.u32 s24, $0x2;
	[dreg:$0x11] =	wrdreg s18  }
0x23: {  	s19 =	smul.u32 $0xA000, s17;
	s9 =	sadd.s32 s20, s4;
	s23 =	sor.u32 $0x70, s1  }
0x24: {  	[dreg:$0x14] =	wrdreg s7;
	s28 =	sshrl.u32 s10, $0x2;
	s17 =	simm.s32 $0x1  }
0x25: {  	s20 =	simm.s32 $0x1D8D0;
	s8 =	sadd.s32 s8, s3;
	[dreg:$0x12] =	wrdreg s9  }
0x26: {  	s24 =	smul.u32 $0xA000, s23;
	[dreg:$0xf] =	wrdreg s8;
	s8 =	sadd.s32 s14, s4  }
0x27: {  	p0 =	sgt.u32 s23, $0x7C;
	[dreg:$0x10] =	wrdreg s8;
	s8 =	sshrl.u32 s19, $0x2  }
0x28: {  	s26 =	smul.u32 $0x1400, s23;
	s7 =	sshrl.u32 s24, $0x2;
	s8 =	sadd.s32 s8, s3  }
0x29: {  	s14 =	simm.s32 $0x13880;
	s7 =	sadd.s32 s7, s3;
	[dreg:$0x13] =	wrdreg s8  }
0x2a: {  	s29 =	sshrl.u32 s26, $0x2;
	s8 =	sadd.s32 s25, s3;
	[dreg:$0x17] =	wrdreg s7  }
0x2b: {  	s24 =	simm.s32 $0x13970;
	s7 =	sadd.s32 s29, s4;
	[dreg:$0x15] =	wrdreg s8  }
0x2c: {  	s25 =	simm.s32 $0x139C0;
	s8 =	sadd.s32 s28, s4;
	[dreg:$0x18] =	wrdreg s7  }
0x2d: {  	v0 =	vimm.f32 $0.0e+00;
	v1 =	vimm.f32 $1.000000000e+00;
	s7 =	simm.s32 $0x1DDD0;
	[dreg:$0x16] =	wrdreg s8;
	s8 =	simm.s32 $0x3  }
.LBB2_1:
0x2e: {  	s18 =	simm.s32 $0x0;
	s19 =	simm.s32 $0x200  }
.LBB2_2:
0x2f: {  	p1 =	sne.s32 s19, $0x9E00;
	[tilespmem:s18+$0x18A30] =	vst v0  }
0x30: {  	[tilespmem:s18+$0x189C0] =	vst v0  }
0x31: {  	[tilespmem:s18+$0x189D0] =	vst v0  }
.Ltmp0:
0x32: {  	[tilespmem:s18+$0x189E0] =	vst v0;
	(pc) =	sbr.rel @p1 .LBB2_2-.Ltmp0, $4  }
0x33: {  	[tilespmem:s18+$0x189F0] =	vst v0  }
0x34: {  	[tilespmem:s18+$0x18A00] =	vst v0  }
0x35: {  	[tilespmem:s18+$0x18A10] =	vst v0  }
0x36: {  	[tilespmem:s18+$0x18A20] =	vst v0;
	s18 =	sshra.s32 s19, $0x2;
	s19 =	sadd.s32 $0x200, s19  }
0x37: {  	[tilespmem:s18+$0x18A30] =	vst v0  }
0x38: {  	[tilespmem:s18+$0x189C0] =	vst v0  }
0x39: {  	[tilespmem:s18+$0x189D0] =	vst v0  }
0x3a: {  	[tilespmem:s18+$0x189E0] =	vst v0  }
0x3b: {  	[tilespmem:s18+$0x189F0] =	vst v0  }
0x3c: {  	[tilespmem:s18+$0x18A00] =	vst v0  }
0x3d: {  	[tilespmem:s18+$0x18A10] =	vst v0  }
0x3e: {  	[tilespmem:s18+$0x18A20] =	vst v0;
	s18 =	simm.s32 $0x40;
	s19 =	simm.s32 $0x0  }
.LBB2_4:
0x3f: {  	p1 =	sne.s32 s18, $0x13C0;
	[tilespmem:s19+$0x1DDD0] =	vst v0;
	s19 =	smov.u32 s18;
	s18 =	sadd.s32 $0x40, s18  }
.Ltmp1:
0x40: {  	(pc) =	sbr.rel @p1 .LBB2_4-.Ltmp1, $2  }
0x41: {  	_ =	sdelay $0x2  }
0x42: {  	s19 =	sshra.s32 s19, $0x2  }
0x43: {  	[tilespmem:s19+$0x1DDD0] =	vst v0;
	s18 =	simm.s32 $0x40;
	s19 =	simm.s32 $0x0  }
.LBB2_6:
0x44: {  	p1 =	sne.s32 s18, $0x13C0;
	[tilespmem:s19+$0x1D8D0] =	vst v1;
	s19 =	smov.u32 s18;
	s18 =	sadd.s32 $0x40, s18  }
.Ltmp2:
0x45: {  	(pc) =	sbr.rel @p1 .LBB2_6-.Ltmp2, $2  }
0x46: {  	_ =	sdelay $0x2  }
0x47: {  	s19 =	sshra.s32 s19, $0x2  }
0x48: {  	[tilespmem:s19+$0x1D8D0] =	vst v1  }
0x49: {  	[spmem:s11] =	stream.linear.scatter [tilespmem:s2], [sflag:$0x4], $0x2800, $0x38;
	[tilespmem:$0x1E2D0] =	vst v63  }
0x4a: {  	_ =	swait.ge [sflag:s6], $0x2800  }
0x4b: {  	[sflag:s6] =	ssyncset.done $0x0  }
0x4c: {  	[sflag:s6] =	ssyncadd.s32 $0xFFFFD800  }
0x4d: {  	[spmem:s12] =	stream.linear.scatter [tilespmem:s7], [sflag:$0x3], $0x500, $0x38;
	[tilespmem:$0x1E2D0] =	vst v63  }
0x4e: {  	_ =	swait.ge [sflag:s8], $0x500  }
0x4f: {  	[sflag:s8] =	ssyncset.done $0x0  }
0x50: {  	s9 =	rddreg [dreg:$0xb];
	[sflag:s8] =	ssyncadd.s32 $0xFFFFFB00  }
0x51: {  	[spmem:s9] =	stream.linear.scatter [tilespmem:s2], [sflag:$0x4], $0x2800, $0x38;
	[tilespmem:$0x1E2D0] =	vst v63  }
0x52: {  	_ =	swait.ge [sflag:s6], $0x2800  }
0x53: {  	[sflag:s6] =	ssyncset.done $0x0  }
0x54: {  	s29 =	rddreg [dreg:$0xc];
	[sflag:s6] =	ssyncadd.s32 $0xFFFFD800  }
0x55: {  	[spmem:s29] =	stream.linear.scatter [tilespmem:s7], [sflag:$0x3], $0x500, $0x38;
	[tilespmem:$0x1E2D0] =	vst v63  }
0x56: {  	_ =	swait.ge [sflag:s8], $0x500  }
0x57: {  	[sflag:s8] =	ssyncset.done $0x0  }
0x58: {  	s10 =	rddreg [dreg:$0xd];
	[sflag:s8] =	ssyncadd.s32 $0xFFFFFB00  }
0x59: {  	[spmem:s10] =	stream.linear.scatter [tilespmem:s2], [sflag:$0x4], $0x2800, $0x38;
	[tilespmem:$0x1E2D0] =	vst v63  }
0x5a: {  	_ =	swait.ge [sflag:s6], $0x2800  }
0x5b: {  	[sflag:s6] =	ssyncset.done $0x0  }
0x5c: {  	s18 =	rddreg [dreg:$0xe];
	[sflag:s6] =	ssyncadd.s32 $0xFFFFD800  }
0x5d: {  	[spmem:s18] =	stream.linear.scatter [tilespmem:s7], [sflag:$0x3], $0x500, $0x38;
	[tilespmem:$0x1E2D0] =	vst v63  }
0x5e: {  	_ =	swait.ge [sflag:s8], $0x500  }
0x5f: {  	[sflag:s8] =	ssyncset.done $0x0  }
0x60: {  	s19 =	rddreg [dreg:$0xf];
	[sflag:s8] =	ssyncadd.s32 $0xFFFFFB00  }
0x61: {  	[spmem:s19] =	stream.linear.scatter [tilespmem:s2], [sflag:$0x4], $0x2800, $0x38;
	[tilespmem:$0x1E2D0] =	vst v63  }
0x62: {  	_ =	swait.ge [sflag:s6], $0x2800  }
0x63: {  	[sflag:s6] =	ssyncset.done $0x0  }
0x64: {  	s22 =	rddreg [dreg:$0x10];
	[sflag:s6] =	ssyncadd.s32 $0xFFFFD800  }
0x65: {  	[spmem:s22] =	stream.linear.scatter [tilespmem:s7], [sflag:$0x3], $0x500, $0x38;
	[tilespmem:$0x1E2D0] =	vst v63  }
0x66: {  	_ =	swait.ge [sflag:s8], $0x500  }
0x67: {  	[sflag:s8] =	ssyncset.done $0x0  }
0x68: {  	s23 =	rddreg [dreg:$0x11];
	[sflag:s8] =	ssyncadd.s32 $0xFFFFFB00  }
0x69: {  	[spmem:s23] =	stream.linear.scatter [tilespmem:s2], [sflag:$0x4], $0x2800, $0x38;
	[tilespmem:$0x1E2D0] =	vst v63  }
0x6a: {  	_ =	swait.ge [sflag:s6], $0x2800  }
0x6b: {  	[sflag:s6] =	ssyncset.done $0x0  }
0x6c: {  	s26 =	rddreg [dreg:$0x12];
	[sflag:s6] =	ssyncadd.s32 $0xFFFFD800  }
0x6d: {  	[spmem:s26] =	stream.linear.scatter [tilespmem:s7], [sflag:$0x3], $0x500, $0x38;
	[tilespmem:$0x1E2D0] =	vst v63  }
0x6e: {  	_ =	swait.ge [sflag:s8], $0x500  }
0x6f: {  	[sflag:s8] =	ssyncset.done $0x0  }
0x70: {  	s28 =	rddreg [dreg:$0x13];
	[sflag:s8] =	ssyncadd.s32 $0xFFFFFB00  }
0x71: {  	[spmem:s28] =	stream.linear.scatter [tilespmem:s2], [sflag:$0x4], $0x2800, $0x38;
	[tilespmem:$0x1E2D0] =	vst v63  }
0x72: {  	_ =	swait.ge [sflag:s6], $0x2800  }
0x73: {  	[sflag:s6] =	ssyncset.done $0x0  }
0x74: {  	s29 =	rddreg [dreg:$0x14];
	[sflag:s6] =	ssyncadd.s32 $0xFFFFD800  }
0x75: {  	[spmem:s29] =	stream.linear.scatter [tilespmem:s7], [sflag:$0x3], $0x500, $0x38;
	[tilespmem:$0x1E2D0] =	vst v63  }
0x76: {  	_ =	swait.ge [sflag:s8], $0x500  }
0x77: {  	[sflag:s8] =	ssyncset.done $0x0  }
0x78: {  	s10 =	rddreg [dreg:$0x15];
	[sflag:s8] =	ssyncadd.s32 $0xFFFFFB00  }
0x79: {  	[spmem:s10] =	stream.linear.scatter [tilespmem:s2], [sflag:$0x4], $0x2800, $0x38;
	[tilespmem:$0x1E2D0] =	vst v63  }
0x7a: {  	_ =	swait.ge [sflag:s6], $0x2800  }
0x7b: {  	[sflag:s6] =	ssyncset.done $0x0  }
0x7c: {  	s18 =	rddreg [dreg:$0x16];
	[sflag:s6] =	ssyncadd.s32 $0xFFFFD800  }
0x7d: {  	[spmem:s18] =	stream.linear.scatter [tilespmem:s7], [sflag:$0x3], $0x500, $0x38;
	[tilespmem:$0x1E2D0] =	vst v63  }
0x7e: {  	_ =	swait.ge [sflag:s8], $0x500  }
0x7f: {  	[sflag:s8] =	ssyncset.done $0x0  }
0x80: {  	s18 =	simm.s32 @!p0 $0x189C0;
	s9 =	rddreg [dreg:$0x17];
	[sflag:s8] =	ssyncadd.s32 $0xFFFFFB00  }
0x81: {  	[spmem:s9] =	stream.linear.scatter @!p0 [tilespmem:s18], [sflag:$0x4], $0x2800, $0x38;
	[tilespmem:$0x1E2D0] =	vst v63  }
0x82: {  	s18 =	simm.s32 @!p0 $0x4  }
0x83: {  	_ =	swait.ge @!p0 [sflag:s18], $0x2800  }
0x84: {  	[sflag:s18] =	ssyncset.done @!p0 $0x0  }
0x85: {  	s9 =	rddreg [dreg:$0x18];
	[sflag:s18] =	ssyncadd.s32 @!p0 $0xFFFFD800;
	s18 =	simm.s32 @!p0 $0x1DDD0  }
0x86: {  	[spmem:s9] =	stream.linear.scatter @!p0 [tilespmem:s18], [sflag:$0x3], $0x500, $0x38;
	[tilespmem:$0x1E2D0] =	vst v63  }
0x87: {  	s18 =	simm.s32 @!p0 $0x3  }
0x88: {  	_ =	swait.ge @!p0 [sflag:s18], $0x500  }
0x89: {  	[sflag:s18] =	ssyncset.done @!p0 $0x0  }
0x8a: {  	[sflag:s18] =	ssyncadd.s32 @!p0 $0xFFFFFB00  }
0x8b: {  	[bflag:$0x0] =	sbarrier.arrive $0xFFFF  }
0x8c: {  	s19 =	simm.s32 $0x0;
	s22 =	rddreg [dreg:$0x6]  }
0x8d: {  	[tilespmem:s14], [sflag:$0x3] =	stream.linear.gather [hbm4b:s22+s19], $0x50, $0x38;
	[tilespmem:$0x1E2D0] =	vst v63  }
0x8e: {  	_ =	swait.ge [sflag:s8], $0x50  }
0x8f: {  	[sflag:s8] =	ssyncset.done $0x0  }
0x90: {  	s23 =	rddreg [dreg:$0x7];
	[sflag:s8] =	ssyncadd.s32 $0xFFFFFFB0  }
0x91: {  	[tilespmem:s15], [sflag:$0x3] =	stream.linear.gather [hbm4b:s23+s19], $0x50, $0x38;
	[tilespmem:$0x1E2D0] =	vst v63  }
0x92: {  	_ =	swait.ge [sflag:s8], $0x50  }
0x93: {  	[sflag:s8] =	ssyncset.done $0x0  }
0x94: {  	[sflag:s8] =	ssyncadd.s32 $0xFFFFFFB0  }
0x95: {  	[tilespmem:s25], [sflag:$0x1] =	stream.indirect.gather [hbm4b:s0+s13], $0x80, s14, s13, $0xb8;
	[tilespmem:$0x1E2D0] =	vst v63  }
0x96: {  	s10 =	simm.s32 $0x138D0;
	s25 =	rddreg [dreg:$0x8]  }
0x97: {  	[tilespmem:s10], [sflag:$0x2] =	stream.linear.gather [hbm4b:s25+s19], $0x50, $0x38;
	[tilespmem:$0x1E2D0] =	vst v63  }
0x98: {  	s26 =	rddreg [dreg:$0x9]  }
0x99: {  	[tilespmem:s24], [sflag:$0x2] =	stream.linear.gather [hbm4b:s26+s19], $0x50, $0x38;
	[tilespmem:$0x1E2D0] =	vst v63  }
0x9a: {  	_ =	swait.ge [sflag:s16], $0x50  }
0x9b: {  	[sflag:s16] =	ssyncset.done $0x0  }
0x9c: {  	s18 =	sand.u32 $0x1, s19;
	[sflag:s16] =	ssyncadd.s32 $0xFFFFFFB0  }
0x9d: {  	s28 =	sxor.u32 $0x1, s18;
	s22 =	smul.u32 $0xA000, s18;
	_ =	swait.ge [sflag:s16], $0x50  }
0x9e: {  	s23 =	smul.u32 $0xA000, s28;
	[sflag:s16] =	ssyncset.done $0x0  }
0x9f: {  	s19 =	smul.u32 $0x140, s28;
	[sflag:s16] =	ssyncadd.s32 $0xFFFFFFB0  }
0xa0: {  	s18 =	smul.u32 $0x50, s18;
	s22 =	sshrl.u32 s22, $0x2;
	_ =	swait.ge [sflag:s17], $0x2800  }
0xa1: {  	s23 =	sshrl.u32 s23, $0x2;
	s19 =	sshrl.u32 s19, $0x2;
	[sflag:s17] =	ssyncset.done $0x0  }
0xa2: {  	s23 =	sadd.s32 $0x139C0, s23;
	s19 =	sor.u32 $0x13880, s19;
	[sflag:s17] =	ssyncadd.s32 $0xFFFFD800  }
0xa3: {  	[tilespmem:s23], [sflag:$0x1] =	stream.indirect.gather [hbm4b:s0+s13], $0x80, s19, s13, $0xb8;
	[tilespmem:$0x1E2D0] =	vst v63  }
0xa4: {  	s29 =	sadd.s32 $0x139C0, s22;
	s26 =	sadd.s32 $0x13920, s18  }
0xa5: {  	[spmem:s3] =	stream.indirect.scatter.add.f32 [tilespmem:s29], [sflag:$0x3], $0x80, s26, s13, $0xb8;
	[tilespmem:$0x1E2D0] =	vst v63  }
0xa6: {  	_ =	swait.ge [sflag:s8], $0x2800  }
0xa7: {  	[sflag:s8] =	ssyncset.done $0x0  }
0xa8: {  	[sflag:s8] =	ssyncadd.s32 $0xFFFFD800  }
0xa9: {  	[spmem:s4] =	stream.indirect.scatter.add.f32 [tilespmem:s20], [sflag:$0x3], $0x10, s26, s13, $0xb8;
	[tilespmem:$0x1E2D0] =	vst v63  }
0xaa: {  	_ =	swait.ge [sflag:s8], $0x500  }
0xab: {  	[sflag:s8] =	ssyncset.done $0x0;
	s19 =	rddreg [dreg:$0x1a]  }
0xac: {  	s18 =	sor.u32 $0x13880, s18;
	s23 =	rddreg [dreg:$0x19];
	[sflag:s8] =	ssyncadd.s32 $0xFFFFFB00  }
0xad: {  	[tilespmem:s18], [sflag:$0x2] =	stream.linear.gather [hbm4b:s19+s5], $0x50, $0x38;
	[tilespmem:$0x1E2D0] =	vst v63  }
0xae: {  	s22 =	simm.s32 $0x1;
	s18 =	smov.u32 s23  }
.LBB2_8:
0xaf: {  	p1 =	sne.s32 s22, $0x7A  }
0xb0: {  	s18 =	sadd.s32 $0xA, s18;
	s19 =	sadd.s32 $0xA, s19;
	s28 =	smov.u32 s22  }
0xb1: {  	[tilespmem:s26], [sflag:$0x2] =	stream.linear.gather [hbm4b:s23+s5], $0x50, $0x38;
	[tilespmem:$0x1E2D0] =	vst v63  }
0xb2: {  	s22 =	sadd.s32 $0x1, s22;
	s23 =	smov.u32 s18;
	_ =	swait.ge [sflag:s16], $0x50  }
0xb3: {  	[sflag:s16] =	ssyncset.done $0x0  }
0xb4: {  	[sflag:s16] =	ssyncadd.s32 $0xFFFFFFB0  }
0xb5: {  	s26 =	sand.u32 $0x1, s28;
	_ =	swait.ge [sflag:s16], $0x50  }
0xb6: {  	s28 =	sxor.u32 $0x1, s26;
	s29 =	smul.u32 $0xA000, s26;
	[sflag:s16] =	ssyncset.done $0x0  }
0xb7: {  	s9 =	smul.u32 $0xA000, s28;
	[sflag:s16] =	ssyncadd.s32 $0xFFFFFFB0  }
0xb8: {  	s28 =	smul.u32 $0x140, s28;
	s29 =	sshrl.u32 s29, $0x2;
	_ =	swait.ge [sflag:s17], $0x2800  }
0xb9: {  	s10 =	smul.u32 $0x50, s26;
	s9 =	sshrl.u32 s9, $0x2;
	[sflag:s17] =	ssyncset.done $0x0  }
0xba: {  	s26 =	sshrl.u32 s28, $0x2;
	s9 =	sadd.s32 $0x139C0, s9;
	[sflag:s17] =	ssyncadd.s32 $0xFFFFD800  }
0xbb: {  	s28 =	sadd.s32 $0x139C0, s29;
	s29 =	sor.u32 $0x13880, s26;
	s26 =	sadd.s32 $0x13920, s10  }
0xbc: {  	[tilespmem:s9], [sflag:$0x1] =	stream.indirect.gather [hbm4b:s0+s13], $0x80, s29, s13, $0xb8;
	[tilespmem:$0x1E2D0] =	vst v63  }
0xbd: {  	_ = 	snop  }
0xbe: {  	[spmem:s3] =	stream.indirect.scatter.add.f32 [tilespmem:s28], [sflag:$0x3], $0x80, s26, s13, $0xb8;
	[tilespmem:$0x1E2D0] =	vst v63  }
0xbf: {  	_ =	swait.ge [sflag:s8], $0x2800  }
0xc0: {  	[sflag:s8] =	ssyncset.done $0x0  }
0xc1: {  	[sflag:s8] =	ssyncadd.s32 $0xFFFFD800  }
0xc2: {  	[spmem:s4] =	stream.indirect.scatter.add.f32 [tilespmem:s20], [sflag:$0x3], $0x10, s26, s13, $0xb8;
	[tilespmem:$0x1E2D0] =	vst v63  }
.Ltmp3:
0xc3: {  	_ = 	snop;
	(pc) =	sbr.rel @p1 .LBB2_8-.Ltmp3, $4  }
0xc4: {  	_ =	swait.ge [sflag:s8], $0x500  }
0xc5: {  	s9 =	sor.u32 $0x13880, s10;
	[sflag:s8] =	ssyncset.done $0x0  }
0xc6: {  	[sflag:s8] =	ssyncadd.s32 $0xFFFFFB00  }
0xc7: {  	[tilespmem:s9], [sflag:$0x2] =	stream.linear.gather [hbm4b:s19+s5], $0x50, $0x38;
	[tilespmem:$0x1E2D0] =	vst v63  }
0xc8: {  	[tilespmem:s26], [sflag:$0x2] =	stream.linear.gather [hbm4b:s23+s5], $0x50, $0x38;
	[tilespmem:$0x1E2D0] =	vst v63  }
0xc9: {  	_ =	swait.ge [sflag:s16], $0x50  }
0xca: {  	[sflag:s16] =	ssyncset.done $0x0  }
0xcb: {  	[sflag:s16] =	ssyncadd.s32 $0xFFFFFFB0  }
0xcc: {  	_ =	swait.ge [sflag:s16], $0x50  }
0xcd: {  	[sflag:s16] =	ssyncset.done $0x0  }
0xce: {  	[sflag:s16] =	ssyncadd.s32 $0xFFFFFFB0  }
0xcf: {  	_ =	swait.ge [sflag:s17], $0x2800  }
0xd0: {  	[sflag:s17] =	ssyncset.done $0x0  }
0xd1: {  	s9 =	simm.s32 $0x139C0;
	[sflag:s17] =	ssyncadd.s32 $0xFFFFD800  }
0xd2: {  	[tilespmem:s9], [sflag:$0x1] =	stream.indirect.gather [hbm4b:s0+s13], $0x80, s14, s13, $0xb8;
	[tilespmem:$0x1E2D0] =	vst v63  }
0xd3: {  	s10 =	simm.s32 $0x13970;
	s25 =	simm.s32 $0x161C0  }
0xd4: {  	[spmem:s3] =	stream.indirect.scatter.add.f32 [tilespmem:s25], [sflag:$0x3], $0x80, s10, s13, $0xb8;
	[tilespmem:$0x1E2D0] =	vst v63  }
0xd5: {  	_ =	swait.ge [sflag:s8], $0x2800  }
0xd6: {  	[sflag:s8] =	ssyncset.done $0x0  }
0xd7: {  	[sflag:s8] =	ssyncadd.s32 $0xFFFFD800  }
0xd8: {  	[spmem:s4] =	stream.indirect.scatter.add.f32 [tilespmem:s20], [sflag:$0x3], $0x10, s10, s13, $0xb8;
	[tilespmem:$0x1E2D0] =	vst v63  }
0xd9: {  	_ =	swait.ge [sflag:s8], $0x500  }
0xda: {  	[sflag:s8] =	ssyncset.done $0x0  }
0xdb: {  	[sflag:s8] =	ssyncadd.s32 $0xFFFFFB00  }
0xdc: {  	_ =	swait.ge [sflag:s17], $0x2800  }
0xdd: {  	[sflag:s17] =	ssyncset.done $0x0  }
0xde: {  	[sflag:s17] =	ssyncadd.s32 $0xFFFFD800  }
0xdf: {  	[spmem:s3] =	stream.indirect.scatter.add.f32 [tilespmem:s9], [sflag:$0x3], $0x80, s15, s13, $0xb8;
	[tilespmem:$0x1E2D0] =	vst v63  }
0xe0: {  	_ =	swait.ge [sflag:s8], $0x2800  }
0xe1: {  	[sflag:s8] =	ssyncset.done $0x0  }
0xe2: {  	[sflag:s8] =	ssyncadd.s32 $0xFFFFD800  }
0xe3: {  	[spmem:s4] =	stream.indirect.scatter.add.f32 [tilespmem:s20], [sflag:$0x3], $0x10, s15, s13, $0xb8;
	[tilespmem:$0x1E2D0] =	vst v63  }
0xe4: {  	s26 =	sadd.s32 $0x0, s1;
	_ =	swait.ge [sflag:s8], $0x500  }
0xe5: {  	s24 =	simm.s32 $0x13970;
	p1 =	sgt.u32 s26, $0x7C;
	[sflag:s8] =	ssyncset.done $0x0  }
0xe6: {  	s18 =	sshrl.u32 @!p1 s11, $0x3;
	s9 =	sshll.u32 @!p1 s1, $0x6;
	[sflag:s8] =	ssyncadd.s32 $0xFFFFFB00  }
0xe7: {  	s19 =	simm.s32 @!p1 $0x4;
	s10 =	sor.u32 @!p1 $0x1C04, s9;
	[bflag:$0x0] =	sbarrier.arrive $0xFFFF  }
0xe8: {  	[hbm:s30], [sflag:s10] =	dma.local @!p1 [spmem:s18], $0x500  }
0xe9: {  	s22 =	simm.s32 $0x20;
	s23 =	sadd.s32 $0x5000, s30;
	_ =	swait.ge @!p1 [sflag:s19], $0x500  }
0xea: {  	s29 =	sadd.s32 $0x10, s1;
	s28 =	simm.s32 @!p1 $0x3;
	[sflag:s19] =	ssyncset.done @!p1 $0x0  }
0xeb: {  	s9 =	sor.u32 @!p1 $0x1C03, s9;
	s10 =	sshrl.u32 @!p1 s12, $0x3;
	[sflag:s19] =	ssyncadd.s32 @!p1 $0xFFFFFB00  }
0xec: {  	[hbm:s31], [sflag:s9] =	dma.local @!p1 [spmem:s10], $0xA0  }
0xed: {  	s26 =	sadd.s32 $0x28000, s11;
	s25 =	simm.s32 $0x139C0;
	_ =	swait.ge @!p1 [sflag:s28], $0xA0  }
0xee: {  	s18 =	sadd.s32 $0xA00, s31;
	s19 =	sadd.s32 $0x5000, s12;
	[sflag:s28] =	ssyncset.done @!p1 $0x0  }
.LBB2_10:
0xef: {  	[sflag:s28] =	ssyncadd.s32 @!p1 $0xFFFFFF60;
	p1 =	sgt.u32 s29, $0x7C  }
0xf0: {  	s9 =	smov.u32 s22;
	s22 =	sadd.s32 $0x10, s22;
	s10 =	smov.u32 s18  }
0xf1: {  	p2 =	sne.s32 s22, $0x80;
	s28 =	sshll.u32 @!p1 s1, $0x6  }
0xf2: {  	s14 =	sshrl.u32 @!p1 s26, $0x3;
	s15 =	simm.s32 @!p1 $0x4;
	s29 =	sor.u32 @!p1 $0x1C04, s28  }
0xf3: {  	[hbm:s23], [sflag:s29] =	dma.local @!p1 [spmem:s14], $0x500  }
0xf4: {  	s14 =	sor.u32 @!p1 $0x1C03, s28;
	_ =	swait.ge @!p1 [sflag:s15], $0x500  }
.Ltmp4:
0xf5: {  	s18 =	sadd.s32 $0xA00, s18;
	[sflag:s15] =	ssyncset.done @!p1 $0x0;
	(pc) =	sbr.rel @p2 .LBB2_10-.Ltmp4, $4  }
0xf6: {  	s28 =	simm.s32 @!p1 $0x3;
	[sflag:s15] =	ssyncadd.s32 @!p1 $0xFFFFFB00;
	s15 =	sshrl.u32 @!p1 s19, $0x3  }
0xf7: {  	[hbm:s10], [sflag:s14] =	dma.local @!p1 [spmem:s15], $0xA0  }
0xf8: {  	s23 =	sadd.s32 $0x5000, s23;
	s19 =	sadd.s32 $0x5000, s19;
	_ =	swait.ge @!p1 [sflag:s28], $0xA0  }
0xf9: {  	s26 =	sadd.s32 $0x28000, s26;
	s29 =	sadd.s32 s9, s1;
	[sflag:s28] =	ssyncset.done @!p1 $0x0  }
0xfa: {  	p2 =	sgt.u32 s29, $0x7C  }
0xfb: {  	[sflag:s28] =	ssyncadd.s32 @!p1 $0xFFFFFF60;
	s9 =	sshll.u32 @!p2 s1, $0x6  }
0xfc: {  	s14 =	sshrl.u32 @!p2 s26, $0x3;
	s15 =	simm.s32 @!p2 $0x4;
	s10 =	sor.u32 @!p2 $0x1C04, s9  }
0xfd: {  	[hbm:s23], [sflag:s10] =	dma.local @!p2 [spmem:s14], $0x500  }
0xfe: {  	_ =	swait.ge @!p2 [sflag:s15], $0x500  }
0xff: {  	s9 =	sor.u32 @!p2 $0x1C03, s9;
	[sflag:s15] =	ssyncset.done @!p2 $0x0  }
0x100: {  	s10 =	sshrl.u32 @!p2 s19, $0x3;
	s14 =	simm.s32 @!p2 $0x3;
	[sflag:s15] =	ssyncadd.s32 @!p2 $0xFFFFFB00  }
0x101: {  	[hbm:s18], [sflag:s9] =	dma.local @!p2 [spmem:s10], $0xA0  }
0x102: {  	_ =	swait.ge @!p2 [sflag:s14], $0xA0  }
0x103: {  	s21 =	sadd.s32 $0x1, s21;
	s29 =	rddreg [dreg:$0xa]  }
0x104: {  	p1 =	sne.s32 s21, s29  }
.Ltmp5:
0x105: {  	_ = 	snop;
	(pc) =	sbr.rel @p1 .LBB2_1-.Ltmp5, $3  }
0x106: {  	_ =	sdelay $0x1  }
0x107: {  	[sflag:s14] =	ssyncset.done @!p2 $0x0  }
0x108: {  	s15 =	simm.s32 $0x13920;
	[sflag:s14] =	ssyncadd.s32 @!p2 $0xFFFFFF60;
	s14 =	simm.s32 $0x13880  }
0x109: {  	_ =	sfence.sel $0x180000  }
0x10a: {  	[bflag:$0x0] =	sbarrier.arrive $0xFFFF  }
0x10b: {  	_ =	strace $0x90000047  }
0x10c: {  	[bflag:$0x2] =	sbarrier.arrive $0xFFFF  }
0x10d: {  	p0 =	sne.s32 s1, $0x0;
	s0 =	rddreg [dreg:$0x5]  }
0x10e: {  	s0 =	sadd.s32 @!p0 $0x100000, s0  }
0x10f: {  	[sflag:s0] =	ssyncadd.tile.s32 @!p0 $0x1;
	_ =	shalt  }
.Lfunc_end2:
_tile_overlayer_lowered:
.L_overlay_start_2:
0x110: {  	(tag) =	ssettag $0x2  }
0x111: {  	s0 =	rddreg [dreg:$0x0];
	s2 =	stileid.u32  }
0x112: {  	s1 =	rddreg [dreg:$0x1];
	p0 =	sne.s32 s2, $0x0  }
0x113: {  	s3 =	rddreg [dreg:$0x2];
	[bflag:$0x3] =	sbarrier.arrive $0xFFFF;
	s2 =	simm.s32 @!p0 $0x1C03  }
0x114: {  	[timem:s3], [sflag:s2] =	dma.local @!p0 [hbm:s0], s1  }
0x115: {  	s0 =	simm.s32 @!p0 $0x3  }
0x116: {  	_ =	swait.ge @!p0 [sflag:s0], s1  }
0x117: {  	s1 =	ssub.s32 @!p0 $0x0, s1;
	[sflag:s0] =	ssyncset.done @!p0 $0x0  }
0x118: {  	[sflag:s0] =	ssyncadd.s32 @!p0 s1  }
0x119: {  	[bflag:$0x3] =	sbarrier.arrive $0xFFFF  }
0x11a: {  	_ =	shalt  }

</sc_bundles>
